<compile_context>
chip_gen: v7x
topology: tpu7x:2x2x1
jax: 0.10.2.dev20260603
libtpu: 0.0.44.dev20260713+nightly
codegen_flags: <defaults>
</compile_context>

<pallas_src>
import functools

import jax
import jax.numpy as jnp
from jax import lax
from jax.experimental import pallas as pl
from jax.experimental.pallas import tpu as pltpu
from jax.experimental.pallas import tpu_sc as plsc

_NUM_CORES = 2
_NUM_SUBCORES = 16
_NW = _NUM_CORES * _NUM_SUBCORES
_L = 16


def _embed_t(xt, tab2):
    s_len, b_len = xt.shape
    d = tab2.shape[1]
    w_b = b_len // _NW
    dg8 = d // 8
    bt = w_b // 2 // 128
    n_j = w_b // 2 // _L

    mesh = plsc.VectorSubcoreMesh(
        core_axis_name="c", subcore_axis_name="s",
        num_cores=_NUM_CORES, num_subcores=_NUM_SUBCORES)

    @functools.partial(
        pl.kernel,
        mesh=mesh,
        compiler_params=pltpu.CompilerParams(
            use_tc_tiling_on_sc=False, needs_layout_passes=False),
        out_type=jax.ShapeDtypeStruct(
            (s_len, dg8, b_len // 128, 8, 128), jnp.float32),
        scratch_types=[
            pltpu.VMEM((s_len, w_b), jnp.int32),
            pltpu.VMEM((2, w_b), jnp.int32),
            pltpu.VMEM((2, w_b, d), jnp.float32),
            pltpu.VMEM((2, 1, dg8, bt, 8, 128), jnp.float32),
            pltpu.SemaphoreType.DMA,
            pltpu.SemaphoreType.DMA,
            pltpu.SemaphoreType.DMA,
            pltpu.SemaphoreType.DMA,
        ],
    )
    def emb(tab_hbm, xt_hbm, out_hbm, x_v, idx_v, buf, buf_t,
            gsem0, gsem1, osem0, osem1):
        wid = lax.axis_index("s") * _NUM_CORES + lax.axis_index("c")
        b0 = wid * w_b
        bt0 = b0 // 128
        gsems = (gsem0, gsem1)
        osems = (osem0, osem1)
        iot = lax.iota(jnp.int32, _L)

        pltpu.sync_copy(xt_hbm.at[:, pl.ds(b0, w_b)], x_v)

        def start_gather(s, slot):
            @plsc.parallel_loop(0, w_b // _L)
            def _prep(j):
                idx_v[slot, pl.ds(j * _L, _L)] = (
                    x_v[s, pl.ds(j * _L, _L)] << 1)

            pltpu.async_copy(
                tab_hbm.at[idx_v.at[slot]], buf.at[slot], gsems[slot])

        def wait_gather(slot):
            pltpu.make_async_copy(
                tab_hbm.at[idx_v.at[slot]], buf.at[slot],
                gsems[slot]).wait()

        def out_dma(s, h, slot):
            return pltpu.make_async_copy(
                buf_t.at[slot],
                out_hbm.at[pl.ds(s, 1), :, pl.ds(bt0 + h * bt, bt)],
                osems[slot])

        start_gather(0, 0)

        def body2(q, _):
            for slot in range(2):
                s = q * 2 + slot

                @pl.when(s + 1 < s_len)
                def _start_next():
                    start_gather(s + 1, 1 - slot)

                wait_gather(slot)

                for h in range(2):
                    @pl.when(s >= 1)
                    def _drain_out():
                        out_dma(s, h, h).wait()

                    for t in range(2):
                        base = h * (w_b // 2) + t * 128
                        tvec = iot * 0 + t

                        @plsc.parallel_loop(0, 8 * d, unroll=2)
                        def tbody(i):
                            r0 = i >> 6
                            c = i & (d - 1)
                            rloc = r0 * _L + iot
                            cvec = (c + iot) & (d - 1)
                            v = plsc.load_gather(
                                buf.at[slot], [base + rloc, cvec])
                            plsc.store_scatter(
                                buf_t.at[h, 0],
                                [cvec >> 3, tvec, cvec & 7, rloc], v)

                    out_dma(s, h, h).start()
            return 0

        lax.fori_loop(0, s_len // 2, body2, 0)

        for h in range(2):
            out_dma(s_len - 1, h, h).wait()

    return emb(tab2, xt)


def kernel(x, table):
    b, s = x.shape
    v, d = table.shape
    xt = x.T.astype(jnp.int32)
    tab2 = jnp.pad(table, ((0, 0), (0, d))).reshape(2 * v, d)
    out5 = _embed_t(xt, tab2)
    out = out5.transpose(2, 4, 0, 1, 3).reshape(b, s, d)
    return out

# --- scband reference (transcript-rebuilt; emitter-appended) ---
"""Pipeline reference for scband-token-embedding-layer-21492016349828 (READ-ONLY COPY).

The authoritative reference and input builder live on the scoring server;
editing this copy changes nothing except your own understanding.
"""

import jax, jax.numpy as jnp
import numpy as np

VOCAB = 1000000
EMBED = 64
BATCH = 16384
SEQ = 50

def setup_inputs(seed: int = 0) -> dict:
    key = jax.random.key(seed)
    k_idx, k_tab = jax.random.split(key)
    x = jax.random.randint(k_idx, (BATCH, SEQ), 0, VOCAB, dtype=jnp.int64 if jax.config.jax_enable_x64 else jnp.int32)
    # Embedding table initialized like keras Embedding (uniform [-0.05, 0.05])
    table = jax.random.uniform(k_tab, (VOCAB, EMBED), dtype=jnp.float32, minval=-0.05, maxval=0.05)
    return {"x": x, "table": table}

def reference(x, table):
    # TokenEmbeddingLayer.call: embedding lookup
    return jnp.take(table, x, axis=0)

if __name__ == "__main__":
    import jax
    _d = setup_inputs()
    print(jax.jit(kernel)(*tuple(_d.values())))

</pallas_src>

<mosaic_0001>
#map = affine_map<(d0, d1) -> (0, 0)>
#map1 = affine_map<(d0, d1) -> (0, 0, 0, 0, 0)>
module attributes {stable_mosaic.version = 14 : i64} {
  func.func @emb(%arg0: i32, %arg1: i32, %arg2: memref<2000000x64xf32, #tpu.memory_space<hbm>>, %arg3: memref<50x16384xi32, #tpu.memory_space<hbm>>, %arg4: memref<50x8x128x8x128xf32, #tpu.memory_space<hbm>>, %arg5: memref<50x512xi32, #tpu.memory_space<vmem>>, %arg6: memref<2x512xi32, #tpu.memory_space<vmem>>, %arg7: memref<2x512x64xf32, #tpu.memory_space<vmem>>, %arg8: memref<2x1x8x2x8x128xf32, #tpu.memory_space<vmem>>, %arg9: memref<!tpu.dma_semaphore, #tpu.memory_space<semaphore_mem>>, %arg10: memref<!tpu.dma_semaphore, #tpu.memory_space<semaphore_mem>>, %arg11: memref<!tpu.dma_semaphore, #tpu.memory_space<semaphore_mem>>, %arg12: memref<!tpu.dma_semaphore, #tpu.memory_space<semaphore_mem>>) attributes {dimension_semantics = [#tpu.dimension_semantics<core_parallel>, #tpu.dimension_semantics<subcore_parallel>], iteration_bounds = array<i64: 2, 16>, scalar_prefetch = 0 : i64, scratch_operands = 8 : i64, tpu.core_type = #tpu.core_type<sc_vector_subcore>, window_params = [{transform_indices = #map}, {transform_indices = #map}, {transform_indices = #map1}]} {
    %mul3A = arith.constant 2 : i32
    %mul3A_0 = arith.muli %arg1, %mul3A : i32
    %add3A = arith.addi %mul3A_0, %arg0 : i32
    %mul3A_1 = arith.constant 512 : i32
    %mul3A_2 = arith.muli %add3A, %mul3A_1 : i32
    %jit3A = arith.constant 128 : i32
    %div3A = arith.divsi %mul3A_2, %jit3A : i32
    %sign3A = arith.constant 0 : i32
    %sign3A_3 = arith.cmpi sgt, %mul3A_2, %sign3A : i32
    %sign3A_4 = arith.extui %sign3A_3 : i1 to i32
    %sign3A_5 = arith.constant 0 : i32
    %sign3A_6 = arith.cmpi slt, %mul3A_2, %sign3A_5 : i32
    %sign3A_7 = arith.extui %sign3A_6 : i1 to i32
    %sign3A_8 = arith.subi %sign3A_4, %sign3A_7 : i32
    %sign3A_9 = arith.constant 0 : i32
    %sign3A_10 = arith.cmpi sgt, %jit3A, %sign3A_9 : i32
    %sign3A_11 = arith.extui %sign3A_10 : i1 to i32
    %sign3A_12 = arith.constant 0 : i32
    %sign3A_13 = arith.cmpi slt, %jit3A, %sign3A_12 : i32
    %sign3A_14 = arith.extui %sign3A_13 : i1 to i32
    %sign3A_15 = arith.subi %sign3A_11, %sign3A_14 : i32
    %ne3A = arith.cmpi ne, %sign3A_8, %sign3A_15 : i32
    %rem3A = arith.remsi %mul3A_2, %jit3A : i32
    %ne3A_16 = arith.constant 0 : i32
    %ne3A_17 = arith.cmpi ne, %rem3A, %ne3A_16 : i32
    %and3A = arith.andi %ne3A, %ne3A_17 : i1
    %sub3A = arith.constant 1 : i32
    %sub3A_18 = arith.subi %div3A, %sub3A : i32
    %select_n3A = arith.select %and3A, %sub3A_18, %div3A : i32
    %iota3A = tpu.iota {dimensions = array<i32: 0>} : vector<16xi32>
    "tpu.region"() ({
      %run_scoped3A = tpu.sem_alloc : memref<!tpu.dma_semaphore, #tpu.memory_space<semaphore_mem>>
      %dma_start3A_91 = arith.constant 0 : i32
      %dma_start3A_92 = tpu.memref_slice %arg3[%dma_start3A_91, %mul3A_2] : memref<50x16384xi32, #tpu.memory_space<hbm>> -> memref<50x512xi32, #tpu.memory_space<hbm>>
      %dma_start3A_93 = arith.constant 0 : i32
      %dma_start3A_94 = tpu.memref_slice %arg3[%dma_start3A_93, %mul3A_2] : memref<50x16384xi32, #tpu.memory_space<hbm>> -> memref<50x512xi32, #tpu.memory_space<hbm>>
      tpu.enqueue_dma source(%dma_start3A_94 : memref<50x512xi32, #tpu.memory_space<hbm>>) target(%arg5 : memref<50x512xi32, #tpu.memory_space<vmem>>) target_semaphore(%run_scoped3A : memref<!tpu.dma_semaphore, #tpu.memory_space<semaphore_mem>>)
      %dma_wait3A_95 = arith.constant 0 : i32
      %dma_wait3A_96 = tpu.memref_slice %arg3[%dma_wait3A_95, %mul3A_2] : memref<50x16384xi32, #tpu.memory_space<hbm>> -> memref<50x512xi32, #tpu.memory_space<hbm>>
      %dma_wait3A_97 = arith.constant 0 : i32
      %dma_wait3A_98 = tpu.memref_slice %arg3[%dma_wait3A_97, %mul3A_2] : memref<50x16384xi32, #tpu.memory_space<hbm>> -> memref<50x512xi32, #tpu.memory_space<hbm>>
      tpu.wait_dma2 semaphore(%run_scoped3A : memref<!tpu.dma_semaphore, #tpu.memory_space<semaphore_mem>>) src(%dma_wait3A_98 : memref<50x512xi32, #tpu.memory_space<hbm>>) dst(%arg5 : memref<50x512xi32, #tpu.memory_space<vmem>>)
      tpu.yield
    }) : () -> ()
    %parallel_loop3A = arith.constant 0 : i32
    %parallel_loop3A_19 = arith.constant 32 : i32
    %parallel_loop3A_20 = arith.constant 1 : i32
    scf.for %parallel_loop3A_91 = %parallel_loop3A to %parallel_loop3A_19 step %parallel_loop3A_20  : i32 {
      %parallel_loop3A_92 = arith.constant 16 : i32
      %parallel_loop3A_93 = arith.muli %parallel_loop3A_91, %parallel_loop3A_92 : i32
      %parallel_loop3A_94 = arith.constant 0 : i32
      %parallel_loop3A_95 = arith.index_cast %parallel_loop3A_94 : i32 to index
      %parallel_loop3A_96 = arith.index_cast %parallel_loop3A_93 : i32 to index
      %parallel_loop3A_97 = tpu.vector_load %arg5[%parallel_loop3A_95, %parallel_loop3A_96] {strides = array<i32>} : memref<50x512xi32, #tpu.memory_space<vmem>>, vector<16xi32>,
      %parallel_loop3A_98 = arith.constant 1 : i32
      %parallel_loop3A_99 = vector.broadcast %parallel_loop3A_98 : i32 to vector<16xi32>
      %parallel_loop3A_100 = arith.shli %parallel_loop3A_97, %parallel_loop3A_99 : vector<16xi32>
      %parallel_loop3A_101 = arith.constant 16 : i32
      %parallel_loop3A_102 = arith.muli %parallel_loop3A_91, %parallel_loop3A_101 : i32
      %parallel_loop3A_103 = arith.constant 0 : i32
      %parallel_loop3A_104 = arith.index_cast %parallel_loop3A_103 : i32 to index
      %parallel_loop3A_105 = arith.index_cast %parallel_loop3A_102 : i32 to index
      %parallel_loop3A_106 = tpu.vector_load %arg6[%parallel_loop3A_104, %parallel_loop3A_105] {strides = array<i32>} : memref<2x512xi32, #tpu.memory_space<vmem>>, vector<16xi32>,
      tpu.vector_store %arg6[%parallel_loop3A_104, %parallel_loop3A_105], %parallel_loop3A_100 {strides = array<i32>} : memref<2x512xi32, #tpu.memory_space<vmem>>, vector<16xi32>,
    } {sc.loop_unroll_factor = 1 : i64, sc.parallel_access}
    %dma_start3A = arith.constant 0 : i32
    %dma_start3A_21 = arith.constant 0 : i32
    %dma_start3A_22 = arith.constant 0 : i32
    %dma_start3A_23 = arith.constant 0 : i32
    %dma_start3A_24 = tpu.memref_slice %arg7[%dma_start3A_21, %dma_start3A_22, %dma_start3A_23] : memref<2x512x64xf32, #tpu.memory_space<vmem>> -> memref<1x512x64xf32, #tpu.memory_space<vmem>>
    %dma_start3A_25 = tpu.memref_squeeze %dma_start3A_24 : memref<1x512x64xf32, #tpu.memory_space<vmem>> -> memref<512x64xf32, #tpu.memory_space<vmem>>
    %dma_start3A_26 = arith.constant 0 : i32
    %dma_start3A_27 = tpu.memref_slice %arg6[%dma_start3A, %dma_start3A_26] : memref<2x512xi32, #tpu.memory_space<vmem>> -> memref<1x512xi32, #tpu.memory_space<vmem>>
    %dma_start3A_28 = tpu.memref_squeeze %dma_start3A_27 : memref<1x512xi32, #tpu.memory_space<vmem>> -> memref<512xi32, #tpu.memory_space<vmem>>
    %dma_start3A_29 = arith.constant 0 : i32
    %dma_start3A_30 = arith.constant 0 : i32
    %dma_start3A_31 = tpu.memref_slice %arg2[%dma_start3A_29, %dma_start3A_30] : memref<2000000x64xf32, #tpu.memory_space<hbm>> -> memref<2000000x64xf32, #tpu.memory_space<hbm>>
    tpu.enqueue_indirect_dma source(%dma_start3A_31 : memref<2000000x64xf32, #tpu.memory_space<hbm>>) target(%dma_start3A_25 : memref<512x64xf32, #tpu.memory_space<vmem>>) offsets(%dma_start3A_28 : memref<512xi32, #tpu.memory_space<vmem>>) semaphore(%arg9 : memref<!tpu.dma_semaphore, #tpu.memory_space<semaphore_mem>>)
    %scan3A = arith.constant 0 : i32
    %scan3A_32 = arith.constant 0 : i32
    %scan3A_33 = arith.constant 25 : i32
    %scan3A_34 = arith.addi %scan3A_32, %scan3A_33 : i32
    %scan3A_35 = arith.constant 1 : i32
    %scan3A_36 = scf.for %scan3A_91 = %scan3A_32 to %scan3A_34 step %scan3A_35 iter_args(%scan3A_92 = %scan3A) -> (i32)  : i32 {
      %mul3A_93 = arith.constant 2 : i32
      %mul3A_94 = arith.muli %scan3A_91, %mul3A_93 : i32
      %add3A_95 = arith.constant 0 : i32
      %add3A_96 = arith.addi %mul3A_94, %add3A_95 : i32
      %add3A_97 = arith.constant 1 : i32
      %add3A_98 = arith.addi %add3A_96, %add3A_97 : i32
      %lt3A = arith.constant 50 : i32
      %lt3A_99 = arith.cmpi slt, %add3A_98, %lt3A : i32
      %convert_element_type3A = arith.extui %lt3A_99 : i1 to i32
      %cond3A = arith.constant 0 : i32
      %cond3A_100 = arith.cmpi ne, %convert_element_type3A, %cond3A : i32
      scf.if %cond3A_100 {
        %add3A_328 = arith.constant 1 : i32
        %add3A_329 = arith.addi %add3A_96, %add3A_328 : i32
        %parallel_loop3A_330 = arith.constant 0 : i32
        %parallel_loop3A_331 = arith.constant 32 : i32
        %parallel_loop3A_332 = arith.constant 1 : i32
        scf.for %parallel_loop3A_345 = %parallel_loop3A_330 to %parallel_loop3A_331 step %parallel_loop3A_332  : i32 {
          %parallel_loop3A_346 = arith.constant 16 : i32
          %parallel_loop3A_347 = arith.muli %parallel_loop3A_345, %parallel_loop3A_346 : i32
          %parallel_loop3A_348 = arith.index_cast %add3A_329 : i32 to index
          %parallel_loop3A_349 = arith.index_cast %parallel_loop3A_347 : i32 to index
          %parallel_loop3A_350 = tpu.vector_load %arg5[%parallel_loop3A_348, %parallel_loop3A_349] {strides = array<i32>} : memref<50x512xi32, #tpu.memory_space<vmem>>, vector<16xi32>,
          %parallel_loop3A_351 = arith.constant 1 : i32
          %parallel_loop3A_352 = vector.broadcast %parallel_loop3A_351 : i32 to vector<16xi32>
          %parallel_loop3A_353 = arith.shli %parallel_loop3A_350, %parallel_loop3A_352 : vector<16xi32>
          %parallel_loop3A_354 = arith.constant 16 : i32
          %parallel_loop3A_355 = arith.muli %parallel_loop3A_345, %parallel_loop3A_354 : i32
          %parallel_loop3A_356 = arith.constant 1 : i32
          %parallel_loop3A_357 = arith.index_cast %parallel_loop3A_356 : i32 to index
          %parallel_loop3A_358 = arith.index_cast %parallel_loop3A_355 : i32 to index
          %parallel_loop3A_359 = tpu.vector_load %arg6[%parallel_loop3A_357, %parallel_loop3A_358] {strides = array<i32>} : memref<2x512xi32, #tpu.memory_space<vmem>>, vector<16xi32>,
          tpu.vector_store %arg6[%parallel_loop3A_357, %parallel_loop3A_358], %parallel_loop3A_353 {strides = array<i32>} : memref<2x512xi32, #tpu.memory_space<vmem>>, vector<16xi32>,
        } {sc.loop_unroll_factor = 1 : i64, sc.parallel_access}
        %dma_start3A_333 = arith.constant 1 : i32
        %dma_start3A_334 = arith.constant 1 : i32
        %dma_start3A_335 = arith.constant 0 : i32
        %dma_start3A_336 = arith.constant 0 : i32
        %dma_start3A_337 = tpu.memref_slice %arg7[%dma_start3A_334, %dma_start3A_335, %dma_start3A_336] : memref<2x512x64xf32, #tpu.memory_space<vmem>> -> memref<1x512x64xf32, #tpu.memory_space<vmem>>
        %dma_start3A_338 = tpu.memref_squeeze %dma_start3A_337 : memref<1x512x64xf32, #tpu.memory_space<vmem>> -> memref<512x64xf32, #tpu.memory_space<vmem>>
        %dma_start3A_339 = arith.constant 0 : i32
        %dma_start3A_340 = tpu.memref_slice %arg6[%dma_start3A_333, %dma_start3A_339] : memref<2x512xi32, #tpu.memory_space<vmem>> -> memref<1x512xi32, #tpu.memory_space<vmem>>
        %dma_start3A_341 = tpu.memref_squeeze %dma_start3A_340 : memref<1x512xi32, #tpu.memory_space<vmem>> -> memref<512xi32, #tpu.memory_space<vmem>>
        %dma_start3A_342 = arith.constant 0 : i32
        %dma_start3A_343 = arith.constant 0 : i32
        %dma_start3A_344 = tpu.memref_slice %arg2[%dma_start3A_342, %dma_start3A_343] : memref<2000000x64xf32, #tpu.memory_space<hbm>> -> memref<2000000x64xf32, #tpu.memory_space<hbm>>
        tpu.enqueue_indirect_dma source(%dma_start3A_344 : memref<2000000x64xf32, #tpu.memory_space<hbm>>) target(%dma_start3A_338 : memref<512x64xf32, #tpu.memory_space<vmem>>) offsets(%dma_start3A_341 : memref<512xi32, #tpu.memory_space<vmem>>) semaphore(%arg10 : memref<!tpu.dma_semaphore, #tpu.memory_space<semaphore_mem>>)
      } else {
      }
      %dma_wait3A_101 = arith.constant 0 : i32
      %dma_wait3A_102 = arith.constant 0 : i32
      %dma_wait3A_103 = arith.constant 0 : i32
      %dma_wait3A_104 = arith.constant 0 : i32
      %dma_wait3A_105 = tpu.memref_slice %arg7[%dma_wait3A_102, %dma_wait3A_103, %dma_wait3A_104] : memref<2x512x64xf32, #tpu.memory_space<vmem>> -> memref<1x512x64xf32, #tpu.memory_space<vmem>>
      %dma_wait3A_106 = tpu.memref_squeeze %dma_wait3A_105 : memref<1x512x64xf32, #tpu.memory_space<vmem>> -> memref<512x64xf32, #tpu.memory_space<vmem>>
      %dma_wait3A_107 = arith.constant 0 : i32
      %dma_wait3A_108 = tpu.memref_slice %arg6[%dma_wait3A_101, %dma_wait3A_107] : memref<2x512xi32, #tpu.memory_space<vmem>> -> memref<1x512xi32, #tpu.memory_space<vmem>>
      %dma_wait3A_109 = tpu.memref_squeeze %dma_wait3A_108 : memref<1x512xi32, #tpu.memory_space<vmem>> -> memref<512xi32, #tpu.memory_space<vmem>>
      %dma_wait3A_110 = arith.constant 0 : i32
      %dma_wait3A_111 = arith.constant 0 : i32
      %dma_wait3A_112 = tpu.memref_slice %arg2[%dma_wait3A_110, %dma_wait3A_111] : memref<2000000x64xf32, #tpu.memory_space<hbm>> -> memref<2000000x64xf32, #tpu.memory_space<hbm>>
      tpu.wait_indirect_dma semaphore(%arg9 : memref<!tpu.dma_semaphore, #tpu.memory_space<semaphore_mem>>) src(%dma_wait3A_112 : memref<2000000x64xf32, #tpu.memory_space<hbm>>) dst(%dma_wait3A_106 : memref<512x64xf32, #tpu.memory_space<vmem>>)
      %ge3A = arith.constant 1 : i32
      %ge3A_113 = arith.cmpi sge, %add3A_96, %ge3A : i32
      %convert_element_type3A_114 = arith.extui %ge3A_113 : i1 to i32
      %cond3A_115 = arith.constant 0 : i32
      %cond3A_116 = arith.cmpi ne, %convert_element_type3A_114, %cond3A_115 : i32
      scf.if %cond3A_116 {
        %add3A_328 = arith.constant 0 : i32
        %add3A_329 = arith.addi %select_n3A, %add3A_328 : i32
        %dma_wait3A_330 = arith.constant 0 : i32
        %dma_wait3A_331 = arith.constant 0 : i32
        %dma_wait3A_332 = arith.constant 0 : i32
        %dma_wait3A_333 = arith.constant 0 : i32
        %dma_wait3A_334 = arith.constant 0 : i32
        %dma_wait3A_335 = arith.constant 0 : i32
        %dma_wait3A_336 = tpu.memref_slice %arg8[%dma_wait3A_330, %dma_wait3A_331, %dma_wait3A_332, %dma_wait3A_333, %dma_wait3A_334, %dma_wait3A_335] : memref<2x1x8x2x8x128xf32, #tpu.memory_space<vmem>> -> memref<1x1x8x2x8x128xf32, #tpu.memory_space<vmem>>
        %dma_wait3A_337 = tpu.memref_squeeze %dma_wait3A_336 : memref<1x1x8x2x8x128xf32, #tpu.memory_space<vmem>> -> memref<1x8x2x8x128xf32, #tpu.memory_space<vmem>>
        %dma_wait3A_338 = arith.constant 0 : i32
        %dma_wait3A_339 = arith.constant 0 : i32
        %dma_wait3A_340 = arith.constant 0 : i32
        %dma_wait3A_341 = tpu.memref_slice %arg4[%add3A_96, %dma_wait3A_338, %add3A_329, %dma_wait3A_339, %dma_wait3A_340] : memref<50x8x128x8x128xf32, #tpu.memory_space<hbm>> -> memref<1x8x2x8x128xf32, #tpu.memory_space<hbm>>
        %dma_wait3A_342 = arith.constant 0 : i32
        %dma_wait3A_343 = arith.constant 0 : i32
        %dma_wait3A_344 = arith.constant 0 : i32
        %dma_wait3A_345 = tpu.memref_slice %arg4[%add3A_96, %dma_wait3A_342, %add3A_329, %dma_wait3A_343, %dma_wait3A_344] : memref<50x8x128x8x128xf32, #tpu.memory_space<hbm>> -> memref<1x8x2x8x128xf32, #tpu.memory_space<hbm>>
        %dma_wait3A_346 = arith.constant 0 : i32
        %dma_wait3A_347 = arith.constant 0 : i32
        %dma_wait3A_348 = arith.constant 0 : i32
        %dma_wait3A_349 = arith.constant 0 : i32
        %dma_wait3A_350 = arith.constant 0 : i32
        %dma_wait3A_351 = tpu.memref_slice %arg8[%dma_wait3A_330, %dma_wait3A_346, %dma_wait3A_347, %dma_wait3A_348, %dma_wait3A_349, %dma_wait3A_350] : memref<2x1x8x2x8x128xf32, #tpu.memory_space<vmem>> -> memref<1x1x8x2x8x128xf32, #tpu.memory_space<vmem>>
        %dma_wait3A_352 = tpu.memref_squeeze %dma_wait3A_351 : memref<1x1x8x2x8x128xf32, #tpu.memory_space<vmem>> -> memref<1x8x2x8x128xf32, #tpu.memory_space<vmem>>
        tpu.wait_dma2 semaphore(%arg11 : memref<!tpu.dma_semaphore, #tpu.memory_space<semaphore_mem>>) src(%dma_wait3A_352 : memref<1x8x2x8x128xf32, #tpu.memory_space<vmem>>) dst(%dma_wait3A_345 : memref<1x8x2x8x128xf32, #tpu.memory_space<hbm>>)
      } else {
      }
      %mul3A_117 = arith.constant 0 : i32
      %mul3A_118 = vector.broadcast %mul3A_117 : i32 to vector<16xi32>
      %mul3A_119 = arith.muli %iota3A, %mul3A_118 : vector<16xi32>
      %add3A_120 = arith.constant 0 : i32
      %add3A_121 = vector.broadcast %add3A_120 : i32 to vector<16xi32>
      %add3A_122 = arith.addi %mul3A_119, %add3A_121 : vector<16xi32>
      %parallel_loop3A_123 = arith.constant 0 : i32
      %parallel_loop3A_124 = arith.constant 512 : i32
      %parallel_loop3A_125 = arith.constant 1 : i32
      scf.for %parallel_loop3A_328 = %parallel_loop3A_123 to %parallel_loop3A_124 step %parallel_loop3A_125  : i32 {
        %parallel_loop3A_329 = arith.constant 6 : i32
        %parallel_loop3A_330 = arith.shrsi %parallel_loop3A_328, %parallel_loop3A_329 : i32
        %parallel_loop3A_331 = arith.constant 63 : i32
        %parallel_loop3A_332 = arith.andi %parallel_loop3A_328, %parallel_loop3A_331 : i32
        %parallel_loop3A_333 = arith.constant 16 : i32
        %parallel_loop3A_334 = arith.muli %parallel_loop3A_330, %parallel_loop3A_333 : i32
        %parallel_loop3A_335 = vector.broadcast %parallel_loop3A_334 : i32 to vector<16xi32>
        %parallel_loop3A_336 = arith.addi %parallel_loop3A_335, %iota3A : vector<16xi32>
        %parallel_loop3A_337 = vector.broadcast %parallel_loop3A_332 : i32 to vector<16xi32>
        %parallel_loop3A_338 = arith.addi %parallel_loop3A_337, %iota3A : vector<16xi32>
        %parallel_loop3A_339 = arith.constant 63 : i32
        %parallel_loop3A_340 = vector.broadcast %parallel_loop3A_339 : i32 to vector<16xi32>
        %parallel_loop3A_341 = arith.andi %parallel_loop3A_338, %parallel_loop3A_340 : vector<16xi32>
        %parallel_loop3A_342 = arith.constant 0 : i32
        %parallel_loop3A_343 = vector.broadcast %parallel_loop3A_342 : i32 to vector<16xi32>
        %parallel_loop3A_344 = arith.addi %parallel_loop3A_343, %parallel_loop3A_336 : vector<16xi32>
        %parallel_loop3A_345 = arith.constant 0 : i32
        %parallel_loop3A_346 = arith.constant 0 : i32
        %parallel_loop3A_347 = arith.constant 0 : i32
        %parallel_loop3A_348 = tpu.memref_slice %arg7[%parallel_loop3A_345, %parallel_loop3A_346, %parallel_loop3A_347] : memref<2x512x64xf32, #tpu.memory_space<vmem>> -> memref<1x512x64xf32, #tpu.memory_space<vmem>>
        %parallel_loop3A_349 = tpu.memref_squeeze %parallel_loop3A_348 : memref<1x512x64xf32, #tpu.memory_space<vmem>> -> memref<512x64xf32, #tpu.memory_space<vmem>>
        %parallel_loop3A_350 = tpu.vector_load_idx %parallel_loop3A_349[%parallel_loop3A_344, %parallel_loop3A_341] : memref<512x64xf32, #tpu.memory_space<vmem>>[vector<16xi32>, vector<16xi32>], vector<16xf32>,
        %parallel_loop3A_351 = arith.constant 3 : i32
        %parallel_loop3A_352 = vector.broadcast %parallel_loop3A_351 : i32 to vector<16xi32>
        %parallel_loop3A_353 = arith.shrsi %parallel_loop3A_341, %parallel_loop3A_352 : vector<16xi32>
        %parallel_loop3A_354 = arith.constant 7 : i32
        %parallel_loop3A_355 = vector.broadcast %parallel_loop3A_354 : i32 to vector<16xi32>
        %parallel_loop3A_356 = arith.andi %parallel_loop3A_341, %parallel_loop3A_355 : vector<16xi32>
        %parallel_loop3A_357 = arith.constant 0 : i32
        %parallel_loop3A_358 = arith.constant 0 : i32
        %parallel_loop3A_359 = arith.constant 0 : i32
        %parallel_loop3A_360 = arith.constant 0 : i32
        %parallel_loop3A_361 = arith.constant 0 : i32
        %parallel_loop3A_362 = arith.constant 0 : i32
        %parallel_loop3A_363 = tpu.memref_slice %arg8[%parallel_loop3A_357, %parallel_loop3A_358, %parallel_loop3A_359, %parallel_loop3A_360, %parallel_loop3A_361, %parallel_loop3A_362] : memref<2x1x8x2x8x128xf32, #tpu.memory_space<vmem>> -> memref<1x1x8x2x8x128xf32, #tpu.memory_space<vmem>>
        %parallel_loop3A_364 = tpu.memref_squeeze %parallel_loop3A_363 : memref<1x1x8x2x8x128xf32, #tpu.memory_space<vmem>> -> memref<8x2x8x128xf32, #tpu.memory_space<vmem>>
        tpu.vector_store_idx %parallel_loop3A_364[%parallel_loop3A_353, %add3A_122, %parallel_loop3A_356, %parallel_loop3A_336], %parallel_loop3A_350 : memref<8x2x8x128xf32, #tpu.memory_space<vmem>>[vector<16xi32>, vector<16xi32>, vector<16xi32>, vector<16xi32>], vector<16xf32>,
      } {sc.loop_unroll_factor = 2 : i64, sc.parallel_access}
      %mul3A_126 = arith.constant 0 : i32
      %mul3A_127 = vector.broadcast %mul3A_126 : i32 to vector<16xi32>
      %mul3A_128 = arith.muli %iota3A, %mul3A_127 : vector<16xi32>
      %add3A_129 = arith.constant 1 : i32
      %add3A_130 = vector.broadcast %add3A_129 : i32 to vector<16xi32>
      %add3A_131 = arith.addi %mul3A_128, %add3A_130 : vector<16xi32>
      %parallel_loop3A_132 = arith.constant 0 : i32
      %parallel_loop3A_133 = arith.constant 512 : i32
      %parallel_loop3A_134 = arith.constant 1 : i32
      scf.for %parallel_loop3A_328 = %parallel_loop3A_132 to %parallel_loop3A_133 step %parallel_loop3A_134  : i32 {
        %parallel_loop3A_329 = arith.constant 6 : i32
        %parallel_loop3A_330 = arith.shrsi %parallel_loop3A_328, %parallel_loop3A_329 : i32
        %parallel_loop3A_331 = arith.constant 63 : i32
        %parallel_loop3A_332 = arith.andi %parallel_loop3A_328, %parallel_loop3A_331 : i32
        %parallel_loop3A_333 = arith.constant 16 : i32
        %parallel_loop3A_334 = arith.muli %parallel_loop3A_330, %parallel_loop3A_333 : i32
        %parallel_loop3A_335 = vector.broadcast %parallel_loop3A_334 : i32 to vector<16xi32>
        %parallel_loop3A_336 = arith.addi %parallel_loop3A_335, %iota3A : vector<16xi32>
        %parallel_loop3A_337 = vector.broadcast %parallel_loop3A_332 : i32 to vector<16xi32>
        %parallel_loop3A_338 = arith.addi %parallel_loop3A_337, %iota3A : vector<16xi32>
        %parallel_loop3A_339 = arith.constant 63 : i32
        %parallel_loop3A_340 = vector.broadcast %parallel_loop3A_339 : i32 to vector<16xi32>
        %parallel_loop3A_341 = arith.andi %parallel_loop3A_338, %parallel_loop3A_340 : vector<16xi32>
        %parallel_loop3A_342 = arith.constant 128 : i32
        %parallel_loop3A_343 = vector.broadcast %parallel_loop3A_342 : i32 to vector<16xi32>
        %parallel_loop3A_344 = arith.addi %parallel_loop3A_343, %parallel_loop3A_336 : vector<16xi32>
        %parallel_loop3A_345 = arith.constant 0 : i32
        %parallel_loop3A_346 = arith.constant 0 : i32
        %parallel_loop3A_347 = arith.constant 0 : i32
        %parallel_loop3A_348 = tpu.memref_slice %arg7[%parallel_loop3A_345, %parallel_loop3A_346, %parallel_loop3A_347] : memref<2x512x64xf32, #tpu.memory_space<vmem>> -> memref<1x512x64xf32, #tpu.memory_space<vmem>>
        %parallel_loop3A_349 = tpu.memref_squeeze %parallel_loop3A_348 : memref<1x512x64xf32, #tpu.memory_space<vmem>> -> memref<512x64xf32, #tpu.memory_space<vmem>>
        %parallel_loop3A_350 = tpu.vector_load_idx %parallel_loop3A_349[%parallel_loop3A_344, %parallel_loop3A_341] : memref<512x64xf32, #tpu.memory_space<vmem>>[vector<16xi32>, vector<16xi32>], vector<16xf32>,
        %parallel_loop3A_351 = arith.constant 3 : i32
        %parallel_loop3A_352 = vector.broadcast %parallel_loop3A_351 : i32 to vector<16xi32>
        %parallel_loop3A_353 = arith.shrsi %parallel_loop3A_341, %parallel_loop3A_352 : vector<16xi32>
        %parallel_loop3A_354 = arith.constant 7 : i32
        %parallel_loop3A_355 = vector.broadcast %parallel_loop3A_354 : i32 to vector<16xi32>
        %parallel_loop3A_356 = arith.andi %parallel_loop3A_341, %parallel_loop3A_355 : vector<16xi32>
        %parallel_loop3A_357 = arith.constant 0 : i32
        %parallel_loop3A_358 = arith.constant 0 : i32
        %parallel_loop3A_359 = arith.constant 0 : i32
        %parallel_loop3A_360 = arith.constant 0 : i32
        %parallel_loop3A_361 = arith.constant 0 : i32
        %parallel_loop3A_362 = arith.constant 0 : i32
        %parallel_loop3A_363 = tpu.memref_slice %arg8[%parallel_loop3A_357, %parallel_loop3A_358, %parallel_loop3A_359, %parallel_loop3A_360, %parallel_loop3A_361, %parallel_loop3A_362] : memref<2x1x8x2x8x128xf32, #tpu.memory_space<vmem>> -> memref<1x1x8x2x8x128xf32, #tpu.memory_space<vmem>>
        %parallel_loop3A_364 = tpu.memref_squeeze %parallel_loop3A_363 : memref<1x1x8x2x8x128xf32, #tpu.memory_space<vmem>> -> memref<8x2x8x128xf32, #tpu.memory_space<vmem>>
        tpu.vector_store_idx %parallel_loop3A_364[%parallel_loop3A_353, %add3A_131, %parallel_loop3A_356, %parallel_loop3A_336], %parallel_loop3A_350 : memref<8x2x8x128xf32, #tpu.memory_space<vmem>>[vector<16xi32>, vector<16xi32>, vector<16xi32>, vector<16xi32>], vector<16xf32>,
      } {sc.loop_unroll_factor = 2 : i64, sc.parallel_access}
      %add3A_135 = arith.constant 0 : i32
      %add3A_136 = arith.addi %select_n3A, %add3A_135 : i32
      %dma_start3A_137 = arith.constant 0 : i32
      %dma_start3A_138 = arith.constant 0 : i32
      %dma_start3A_139 = arith.constant 0 : i32
      %dma_start3A_140 = arith.constant 0 : i32
      %dma_start3A_141 = arith.constant 0 : i32
      %dma_start3A_142 = arith.constant 0 : i32
      %dma_start3A_143 = tpu.memref_slice %arg8[%dma_start3A_137, %dma_start3A_138, %dma_start3A_139, %dma_start3A_140, %dma_start3A_141, %dma_start3A_142] : memref<2x1x8x2x8x128xf32, #tpu.memory_space<vmem>> -> memref<1x1x8x2x8x128xf32, #tpu.memory_space<vmem>>
      %dma_start3A_144 = tpu.memref_squeeze %dma_start3A_143 : memref<1x1x8x2x8x128xf32, #tpu.memory_space<vmem>> -> memref<1x8x2x8x128xf32, #tpu.memory_space<vmem>>
      %dma_start3A_145 = arith.constant 0 : i32
      %dma_start3A_146 = arith.constant 0 : i32
      %dma_start3A_147 = arith.constant 0 : i32
      %dma_start3A_148 = tpu.memref_slice %arg4[%add3A_96, %dma_start3A_145, %add3A_136, %dma_start3A_146, %dma_start3A_147] : memref<50x8x128x8x128xf32, #tpu.memory_space<hbm>> -> memref<1x8x2x8x128xf32, #tpu.memory_space<hbm>>
      %dma_start3A_149 = arith.constant 0 : i32
      %dma_start3A_150 = arith.constant 0 : i32
      %dma_start3A_151 = arith.constant 0 : i32
      %dma_start3A_152 = tpu.memref_slice %arg4[%add3A_96, %dma_start3A_149, %add3A_136, %dma_start3A_150, %dma_start3A_151] : memref<50x8x128x8x128xf32, #tpu.memory_space<hbm>> -> memref<1x8x2x8x128xf32, #tpu.memory_space<hbm>>
      %dma_start3A_153 = arith.constant 0 : i32
      %dma_start3A_154 = arith.constant 0 : i32
      %dma_start3A_155 = arith.constant 0 : i32
      %dma_start3A_156 = arith.constant 0 : i32
      %dma_start3A_157 = arith.constant 0 : i32
      %dma_start3A_158 = tpu.memref_slice %arg8[%dma_start3A_137, %dma_start3A_153, %dma_start3A_154, %dma_start3A_155, %dma_start3A_156, %dma_start3A_157] : memref<2x1x8x2x8x128xf32, #tpu.memory_space<vmem>> -> memref<1x1x8x2x8x128xf32, #tpu.memory_space<vmem>>
      %dma_start3A_159 = tpu.memref_squeeze %dma_start3A_158 : memref<1x1x8x2x8x128xf32, #tpu.memory_space<vmem>> -> memref<1x8x2x8x128xf32, #tpu.memory_space<vmem>>
      tpu.enqueue_dma source(%dma_start3A_159 : memref<1x8x2x8x128xf32, #tpu.memory_space<vmem>>) target(%dma_start3A_152 : memref<1x8x2x8x128xf32, #tpu.memory_space<hbm>>) target_semaphore(%arg11 : memref<!tpu.dma_semaphore, #tpu.memory_space<semaphore_mem>>)
      %ge3A_160 = arith.constant 1 : i32
      %ge3A_161 = arith.cmpi sge, %add3A_96, %ge3A_160 : i32
      %convert_element_type3A_162 = arith.extui %ge3A_161 : i1 to i32
      %cond3A_163 = arith.constant 0 : i32
      %cond3A_164 = arith.cmpi ne, %convert_element_type3A_162, %cond3A_163 : i32
      scf.if %cond3A_164 {
        %add3A_328 = arith.constant 2 : i32
        %add3A_329 = arith.addi %select_n3A, %add3A_328 : i32
        %dma_wait3A_330 = arith.constant 1 : i32
        %dma_wait3A_331 = arith.constant 0 : i32
        %dma_wait3A_332 = arith.constant 0 : i32
        %dma_wait3A_333 = arith.constant 0 : i32
        %dma_wait3A_334 = arith.constant 0 : i32
        %dma_wait3A_335 = arith.constant 0 : i32
        %dma_wait3A_336 = tpu.memref_slice %arg8[%dma_wait3A_330, %dma_wait3A_331, %dma_wait3A_332, %dma_wait3A_333, %dma_wait3A_334, %dma_wait3A_335] : memref<2x1x8x2x8x128xf32, #tpu.memory_space<vmem>> -> memref<1x1x8x2x8x128xf32, #tpu.memory_space<vmem>>
        %dma_wait3A_337 = tpu.memref_squeeze %dma_wait3A_336 : memref<1x1x8x2x8x128xf32, #tpu.memory_space<vmem>> -> memref<1x8x2x8x128xf32, #tpu.memory_space<vmem>>
        %dma_wait3A_338 = arith.constant 0 : i32
        %dma_wait3A_339 = arith.constant 0 : i32
        %dma_wait3A_340 = arith.constant 0 : i32
        %dma_wait3A_341 = tpu.memref_slice %arg4[%add3A_96, %dma_wait3A_338, %add3A_329, %dma_wait3A_339, %dma_wait3A_340] : memref<50x8x128x8x128xf32, #tpu.memory_space<hbm>> -> memref<1x8x2x8x128xf32, #tpu.memory_space<hbm>>
        %dma_wait3A_342 = arith.constant 0 : i32
        %dma_wait3A_343 = arith.constant 0 : i32
        %dma_wait3A_344 = arith.constant 0 : i32
        %dma_wait3A_345 = tpu.memref_slice %arg4[%add3A_96, %dma_wait3A_342, %add3A_329, %dma_wait3A_343, %dma_wait3A_344] : memref<50x8x128x8x128xf32, #tpu.memory_space<hbm>> -> memref<1x8x2x8x128xf32, #tpu.memory_space<hbm>>
        %dma_wait3A_346 = arith.constant 0 : i32
        %dma_wait3A_347 = arith.constant 0 : i32
        %dma_wait3A_348 = arith.constant 0 : i32
        %dma_wait3A_349 = arith.constant 0 : i32
        %dma_wait3A_350 = arith.constant 0 : i32
        %dma_wait3A_351 = tpu.memref_slice %arg8[%dma_wait3A_330, %dma_wait3A_346, %dma_wait3A_347, %dma_wait3A_348, %dma_wait3A_349, %dma_wait3A_350] : memref<2x1x8x2x8x128xf32, #tpu.memory_space<vmem>> -> memref<1x1x8x2x8x128xf32, #tpu.memory_space<vmem>>
        %dma_wait3A_352 = tpu.memref_squeeze %dma_wait3A_351 : memref<1x1x8x2x8x128xf32, #tpu.memory_space<vmem>> -> memref<1x8x2x8x128xf32, #tpu.memory_space<vmem>>
        tpu.wait_dma2 semaphore(%arg12 : memref<!tpu.dma_semaphore, #tpu.memory_space<semaphore_mem>>) src(%dma_wait3A_352 : memref<1x8x2x8x128xf32, #tpu.memory_space<vmem>>) dst(%dma_wait3A_345 : memref<1x8x2x8x128xf32, #tpu.memory_space<hbm>>)
      } else {
      }
      %mul3A_165 = arith.constant 0 : i32
      %mul3A_166 = vector.broadcast %mul3A_165 : i32 to vector<16xi32>
      %mul3A_167 = arith.muli %iota3A, %mul3A_166 : vector<16xi32>
      %add3A_168 = arith.constant 0 : i32
      %add3A_169 = vector.broadcast %add3A_168 : i32 to vector<16xi32>
      %add3A_170 = arith.addi %mul3A_167, %add3A_169 : vector<16xi32>
      %parallel_loop3A_171 = arith.constant 0 : i32
      %parallel_loop3A_172 = arith.constant 512 : i32
      %parallel_loop3A_173 = arith.constant 1 : i32
      scf.for %parallel_loop3A_328 = %parallel_loop3A_171 to %parallel_loop3A_172 step %parallel_loop3A_173  : i32 {
        %parallel_loop3A_329 = arith.constant 6 : i32
        %parallel_loop3A_330 = arith.shrsi %parallel_loop3A_328, %parallel_loop3A_329 : i32
        %parallel_loop3A_331 = arith.constant 63 : i32
        %parallel_loop3A_332 = arith.andi %parallel_loop3A_328, %parallel_loop3A_331 : i32
        %parallel_loop3A_333 = arith.constant 16 : i32
        %parallel_loop3A_334 = arith.muli %parallel_loop3A_330, %parallel_loop3A_333 : i32
        %parallel_loop3A_335 = vector.broadcast %parallel_loop3A_334 : i32 to vector<16xi32>
        %parallel_loop3A_336 = arith.addi %parallel_loop3A_335, %iota3A : vector<16xi32>
        %parallel_loop3A_337 = vector.broadcast %parallel_loop3A_332 : i32 to vector<16xi32>
        %parallel_loop3A_338 = arith.addi %parallel_loop3A_337, %iota3A : vector<16xi32>
        %parallel_loop3A_339 = arith.constant 63 : i32
        %parallel_loop3A_340 = vector.broadcast %parallel_loop3A_339 : i32 to vector<16xi32>
        %parallel_loop3A_341 = arith.andi %parallel_loop3A_338, %parallel_loop3A_340 : vector<16xi32>
        %parallel_loop3A_342 = arith.constant 256 : i32
        %parallel_loop3A_343 = vector.broadcast %parallel_loop3A_342 : i32 to vector<16xi32>
        %parallel_loop3A_344 = arith.addi %parallel_loop3A_343, %parallel_loop3A_336 : vector<16xi32>
        %parallel_loop3A_345 = arith.constant 0 : i32
        %parallel_loop3A_346 = arith.constant 0 : i32
        %parallel_loop3A_347 = arith.constant 0 : i32
        %parallel_loop3A_348 = tpu.memref_slice %arg7[%parallel_loop3A_345, %parallel_loop3A_346, %parallel_loop3A_347] : memref<2x512x64xf32, #tpu.memory_space<vmem>> -> memref<1x512x64xf32, #tpu.memory_space<vmem>>
        %parallel_loop3A_349 = tpu.memref_squeeze %parallel_loop3A_348 : memref<1x512x64xf32, #tpu.memory_space<vmem>> -> memref<512x64xf32, #tpu.memory_space<vmem>>
        %parallel_loop3A_350 = tpu.vector_load_idx %parallel_loop3A_349[%parallel_loop3A_344, %parallel_loop3A_341] : memref<512x64xf32, #tpu.memory_space<vmem>>[vector<16xi32>, vector<16xi32>], vector<16xf32>,
        %parallel_loop3A_351 = arith.constant 3 : i32
        %parallel_loop3A_352 = vector.broadcast %parallel_loop3A_351 : i32 to vector<16xi32>
        %parallel_loop3A_353 = arith.shrsi %parallel_loop3A_341, %parallel_loop3A_352 : vector<16xi32>
        %parallel_loop3A_354 = arith.constant 7 : i32
        %parallel_loop3A_355 = vector.broadcast %parallel_loop3A_354 : i32 to vector<16xi32>
        %parallel_loop3A_356 = arith.andi %parallel_loop3A_341, %parallel_loop3A_355 : vector<16xi32>
        %parallel_loop3A_357 = arith.constant 1 : i32
        %parallel_loop3A_358 = arith.constant 0 : i32
        %parallel_loop3A_359 = arith.constant 0 : i32
        %parallel_loop3A_360 = arith.constant 0 : i32
        %parallel_loop3A_361 = arith.constant 0 : i32
        %parallel_loop3A_362 = arith.constant 0 : i32
        %parallel_loop3A_363 = tpu.memref_slice %arg8[%parallel_loop3A_357, %parallel_loop3A_358, %parallel_loop3A_359, %parallel_loop3A_360, %parallel_loop3A_361, %parallel_loop3A_362] : memref<2x1x8x2x8x128xf32, #tpu.memory_space<vmem>> -> memref<1x1x8x2x8x128xf32, #tpu.memory_space<vmem>>
        %parallel_loop3A_364 = tpu.memref_squeeze %parallel_loop3A_363 : memref<1x1x8x2x8x128xf32, #tpu.memory_space<vmem>> -> memref<8x2x8x128xf32, #tpu.memory_space<vmem>>
        tpu.vector_store_idx %parallel_loop3A_364[%parallel_loop3A_353, %add3A_170, %parallel_loop3A_356, %parallel_loop3A_336], %parallel_loop3A_350 : memref<8x2x8x128xf32, #tpu.memory_space<vmem>>[vector<16xi32>, vector<16xi32>, vector<16xi32>, vector<16xi32>], vector<16xf32>,
      } {sc.loop_unroll_factor = 2 : i64, sc.parallel_access}
      %mul3A_174 = arith.constant 0 : i32
      %mul3A_175 = vector.broadcast %mul3A_174 : i32 to vector<16xi32>
      %mul3A_176 = arith.muli %iota3A, %mul3A_175 : vector<16xi32>
      %add3A_177 = arith.constant 1 : i32
      %add3A_178 = vector.broadcast %add3A_177 : i32 to vector<16xi32>
      %add3A_179 = arith.addi %mul3A_176, %add3A_178 : vector<16xi32>
      %parallel_loop3A_180 = arith.constant 0 : i32
      %parallel_loop3A_181 = arith.constant 512 : i32
      %parallel_loop3A_182 = arith.constant 1 : i32
      scf.for %parallel_loop3A_328 = %parallel_loop3A_180 to %parallel_loop3A_181 step %parallel_loop3A_182  : i32 {
        %parallel_loop3A_329 = arith.constant 6 : i32
        %parallel_loop3A_330 = arith.shrsi %parallel_loop3A_328, %parallel_loop3A_329 : i32
        %parallel_loop3A_331 = arith.constant 63 : i32
        %parallel_loop3A_332 = arith.andi %parallel_loop3A_328, %parallel_loop3A_331 : i32
        %parallel_loop3A_333 = arith.constant 16 : i32
        %parallel_loop3A_334 = arith.muli %parallel_loop3A_330, %parallel_loop3A_333 : i32
        %parallel_loop3A_335 = vector.broadcast %parallel_loop3A_334 : i32 to vector<16xi32>
        %parallel_loop3A_336 = arith.addi %parallel_loop3A_335, %iota3A : vector<16xi32>
        %parallel_loop3A_337 = vector.broadcast %parallel_loop3A_332 : i32 to vector<16xi32>
        %parallel_loop3A_338 = arith.addi %parallel_loop3A_337, %iota3A : vector<16xi32>
        %parallel_loop3A_339 = arith.constant 63 : i32
        %parallel_loop3A_340 = vector.broadcast %parallel_loop3A_339 : i32 to vector<16xi32>
        %parallel_loop3A_341 = arith.andi %parallel_loop3A_338, %parallel_loop3A_340 : vector<16xi32>
        %parallel_loop3A_342 = arith.constant 384 : i32
        %parallel_loop3A_343 = vector.broadcast %parallel_loop3A_342 : i32 to vector<16xi32>
        %parallel_loop3A_344 = arith.addi %parallel_loop3A_343, %parallel_loop3A_336 : vector<16xi32>
        %parallel_loop3A_345 = arith.constant 0 : i32
        %parallel_loop3A_346 = arith.constant 0 : i32
        %parallel_loop3A_347 = arith.constant 0 : i32
        %parallel_loop3A_348 = tpu.memref_slice %arg7[%parallel_loop3A_345, %parallel_loop3A_346, %parallel_loop3A_347] : memref<2x512x64xf32, #tpu.memory_space<vmem>> -> memref<1x512x64xf32, #tpu.memory_space<vmem>>
        %parallel_loop3A_349 = tpu.memref_squeeze %parallel_loop3A_348 : memref<1x512x64xf32, #tpu.memory_space<vmem>> -> memref<512x64xf32, #tpu.memory_space<vmem>>
        %parallel_loop3A_350 = tpu.vector_load_idx %parallel_loop3A_349[%parallel_loop3A_344, %parallel_loop3A_341] : memref<512x64xf32, #tpu.memory_space<vmem>>[vector<16xi32>, vector<16xi32>], vector<16xf32>,
        %parallel_loop3A_351 = arith.constant 3 : i32
        %parallel_loop3A_352 = vector.broadcast %parallel_loop3A_351 : i32 to vector<16xi32>
        %parallel_loop3A_353 = arith.shrsi %parallel_loop3A_341, %parallel_loop3A_352 : vector<16xi32>
        %parallel_loop3A_354 = arith.constant 7 : i32
        %parallel_loop3A_355 = vector.broadcast %parallel_loop3A_354 : i32 to vector<16xi32>
        %parallel_loop3A_356 = arith.andi %parallel_loop3A_341, %parallel_loop3A_355 : vector<16xi32>
        %parallel_loop3A_357 = arith.constant 1 : i32
        %parallel_loop3A_358 = arith.constant 0 : i32
        %parallel_loop3A_359 = arith.constant 0 : i32
        %parallel_loop3A_360 = arith.constant 0 : i32
        %parallel_loop3A_361 = arith.constant 0 : i32
        %parallel_loop3A_362 = arith.constant 0 : i32
        %parallel_loop3A_363 = tpu.memref_slice %arg8[%parallel_loop3A_357, %parallel_loop3A_358, %parallel_loop3A_359, %parallel_loop3A_360, %parallel_loop3A_361, %parallel_loop3A_362] : memref<2x1x8x2x8x128xf32, #tpu.memory_space<vmem>> -> memref<1x1x8x2x8x128xf32, #tpu.memory_space<vmem>>
        %parallel_loop3A_364 = tpu.memref_squeeze %parallel_loop3A_363 : memref<1x1x8x2x8x128xf32, #tpu.memory_space<vmem>> -> memref<8x2x8x128xf32, #tpu.memory_space<vmem>>
        tpu.vector_store_idx %parallel_loop3A_364[%parallel_loop3A_353, %add3A_179, %parallel_loop3A_356, %parallel_loop3A_336], %parallel_loop3A_350 : memref<8x2x8x128xf32, #tpu.memory_space<vmem>>[vector<16xi32>, vector<16xi32>, vector<16xi32>, vector<16xi32>], vector<16xf32>,
      } {sc.loop_unroll_factor = 2 : i64, sc.parallel_access}
      %add3A_183 = arith.constant 2 : i32
      %add3A_184 = arith.addi %select_n3A, %add3A_183 : i32
      %dma_start3A_185 = arith.constant 1 : i32
      %dma_start3A_186 = arith.constant 0 : i32
      %dma_start3A_187 = arith.constant 0 : i32
      %dma_start3A_188 = arith.constant 0 : i32
      %dma_start3A_189 = arith.constant 0 : i32
      %dma_start3A_190 = arith.constant 0 : i32
      %dma_start3A_191 = tpu.memref_slice %arg8[%dma_start3A_185, %dma_start3A_186, %dma_start3A_187, %dma_start3A_188, %dma_start3A_189, %dma_start3A_190] : memref<2x1x8x2x8x128xf32, #tpu.memory_space<vmem>> -> memref<1x1x8x2x8x128xf32, #tpu.memory_space<vmem>>
      %dma_start3A_192 = tpu.memref_squeeze %dma_start3A_191 : memref<1x1x8x2x8x128xf32, #tpu.memory_space<vmem>> -> memref<1x8x2x8x128xf32, #tpu.memory_space<vmem>>
      %dma_start3A_193 = arith.constant 0 : i32
      %dma_start3A_194 = arith.constant 0 : i32
      %dma_start3A_195 = arith.constant 0 : i32
      %dma_start3A_196 = tpu.memref_slice %arg4[%add3A_96, %dma_start3A_193, %add3A_184, %dma_start3A_194, %dma_start3A_195] : memref<50x8x128x8x128xf32, #tpu.memory_space<hbm>> -> memref<1x8x2x8x128xf32, #tpu.memory_space<hbm>>
      %dma_start3A_197 = arith.constant 0 : i32
      %dma_start3A_198 = arith.constant 0 : i32
      %dma_start3A_199 = arith.constant 0 : i32
      %dma_start3A_200 = tpu.memref_slice %arg4[%add3A_96, %dma_start3A_197, %add3A_184, %dma_start3A_198, %dma_start3A_199] : memref<50x8x128x8x128xf32, #tpu.memory_space<hbm>> -> memref<1x8x2x8x128xf32, #tpu.memory_space<hbm>>
      %dma_start3A_201 = arith.constant 0 : i32
      %dma_start3A_202 = arith.constant 0 : i32
      %dma_start3A_203 = arith.constant 0 : i32
      %dma_start3A_204 = arith.constant 0 : i32
      %dma_start3A_205 = arith.constant 0 : i32
      %dma_start3A_206 = tpu.memref_slice %arg8[%dma_start3A_185, %dma_start3A_201, %dma_start3A_202, %dma_start3A_203, %dma_start3A_204, %dma_start3A_205] : memref<2x1x8x2x8x128xf32, #tpu.memory_space<vmem>> -> memref<1x1x8x2x8x128xf32, #tpu.memory_space<vmem>>
      %dma_start3A_207 = tpu.memref_squeeze %dma_start3A_206 : memref<1x1x8x2x8x128xf32, #tpu.memory_space<vmem>> -> memref<1x8x2x8x128xf32, #tpu.memory_space<vmem>>
      tpu.enqueue_dma source(%dma_start3A_207 : memref<1x8x2x8x128xf32, #tpu.memory_space<vmem>>) target(%dma_start3A_200 : memref<1x8x2x8x128xf32, #tpu.memory_space<hbm>>) target_semaphore(%arg12 : memref<!tpu.dma_semaphore, #tpu.memory_space<semaphore_mem>>)
      %mul3A_208 = arith.constant 2 : i32
      %mul3A_209 = arith.muli %scan3A_91, %mul3A_208 : i32
      %add3A_210 = arith.constant 1 : i32
      %add3A_211 = arith.addi %mul3A_209, %add3A_210 : i32
      %add3A_212 = arith.constant 1 : i32
      %add3A_213 = arith.addi %add3A_211, %add3A_212 : i32
      %lt3A_214 = arith.constant 50 : i32
      %lt3A_215 = arith.cmpi slt, %add3A_213, %lt3A_214 : i32
      %convert_element_type3A_216 = arith.extui %lt3A_215 : i1 to i32
      %cond3A_217 = arith.constant 0 : i32
      %cond3A_218 = arith.cmpi ne, %convert_element_type3A_216, %cond3A_217 : i32
      scf.if %cond3A_218 {
        %add3A_328 = arith.constant 1 : i32
        %add3A_329 = arith.addi %add3A_211, %add3A_328 : i32
        %parallel_loop3A_330 = arith.constant 0 : i32
        %parallel_loop3A_331 = arith.constant 32 : i32
        %parallel_loop3A_332 = arith.constant 1 : i32
        scf.for %parallel_loop3A_345 = %parallel_loop3A_330 to %parallel_loop3A_331 step %parallel_loop3A_332  : i32 {
          %parallel_loop3A_346 = arith.constant 16 : i32
          %parallel_loop3A_347 = arith.muli %parallel_loop3A_345, %parallel_loop3A_346 : i32
          %parallel_loop3A_348 = arith.index_cast %add3A_329 : i32 to index
          %parallel_loop3A_349 = arith.index_cast %parallel_loop3A_347 : i32 to index
          %parallel_loop3A_350 = tpu.vector_load %arg5[%parallel_loop3A_348, %parallel_loop3A_349] {strides = array<i32>} : memref<50x512xi32, #tpu.memory_space<vmem>>, vector<16xi32>,
          %parallel_loop3A_351 = arith.constant 1 : i32
          %parallel_loop3A_352 = vector.broadcast %parallel_loop3A_351 : i32 to vector<16xi32>
          %parallel_loop3A_353 = arith.shli %parallel_loop3A_350, %parallel_loop3A_352 : vector<16xi32>
          %parallel_loop3A_354 = arith.constant 16 : i32
          %parallel_loop3A_355 = arith.muli %parallel_loop3A_345, %parallel_loop3A_354 : i32
          %parallel_loop3A_356 = arith.constant 0 : i32
          %parallel_loop3A_357 = arith.index_cast %parallel_loop3A_356 : i32 to index
          %parallel_loop3A_358 = arith.index_cast %parallel_loop3A_355 : i32 to index
          %parallel_loop3A_359 = tpu.vector_load %arg6[%parallel_loop3A_357, %parallel_loop3A_358] {strides = array<i32>} : memref<2x512xi32, #tpu.memory_space<vmem>>, vector<16xi32>,
          tpu.vector_store %arg6[%parallel_loop3A_357, %parallel_loop3A_358], %parallel_loop3A_353 {strides = array<i32>} : memref<2x512xi32, #tpu.memory_space<vmem>>, vector<16xi32>,
        } {sc.loop_unroll_factor = 1 : i64, sc.parallel_access}
        %dma_start3A_333 = arith.constant 0 : i32
        %dma_start3A_334 = arith.constant 0 : i32
        %dma_start3A_335 = arith.constant 0 : i32
        %dma_start3A_336 = arith.constant 0 : i32
        %dma_start3A_337 = tpu.memref_slice %arg7[%dma_start3A_334, %dma_start3A_335, %dma_start3A_336] : memref<2x512x64xf32, #tpu.memory_space<vmem>> -> memref<1x512x64xf32, #tpu.memory_space<vmem>>
        %dma_start3A_338 = tpu.memref_squeeze %dma_start3A_337 : memref<1x512x64xf32, #tpu.memory_space<vmem>> -> memref<512x64xf32, #tpu.memory_space<vmem>>
        %dma_start3A_339 = arith.constant 0 : i32
        %dma_start3A_340 = tpu.memref_slice %arg6[%dma_start3A_333, %dma_start3A_339] : memref<2x512xi32, #tpu.memory_space<vmem>> -> memref<1x512xi32, #tpu.memory_space<vmem>>
        %dma_start3A_341 = tpu.memref_squeeze %dma_start3A_340 : memref<1x512xi32, #tpu.memory_space<vmem>> -> memref<512xi32, #tpu.memory_space<vmem>>
        %dma_start3A_342 = arith.constant 0 : i32
        %dma_start3A_343 = arith.constant 0 : i32
        %dma_start3A_344 = tpu.memref_slice %arg2[%dma_start3A_342, %dma_start3A_343] : memref<2000000x64xf32, #tpu.memory_space<hbm>> -> memref<2000000x64xf32, #tpu.memory_space<hbm>>
        tpu.enqueue_indirect_dma source(%dma_start3A_344 : memref<2000000x64xf32, #tpu.memory_space<hbm>>) target(%dma_start3A_338 : memref<512x64xf32, #tpu.memory_space<vmem>>) offsets(%dma_start3A_341 : memref<512xi32, #tpu.memory_space<vmem>>) semaphore(%arg9 : memref<!tpu.dma_semaphore, #tpu.memory_space<semaphore_mem>>)
      } else {
      }
      %dma_wait3A_219 = arith.constant 1 : i32
      %dma_wait3A_220 = arith.constant 1 : i32
      %dma_wait3A_221 = arith.constant 0 : i32
      %dma_wait3A_222 = arith.constant 0 : i32
      %dma_wait3A_223 = tpu.memref_slice %arg7[%dma_wait3A_220, %dma_wait3A_221, %dma_wait3A_222] : memref<2x512x64xf32, #tpu.memory_space<vmem>> -> memref<1x512x64xf32, #tpu.memory_space<vmem>>
      %dma_wait3A_224 = tpu.memref_squeeze %dma_wait3A_223 : memref<1x512x64xf32, #tpu.memory_space<vmem>> -> memref<512x64xf32, #tpu.memory_space<vmem>>
      %dma_wait3A_225 = arith.constant 0 : i32
      %dma_wait3A_226 = tpu.memref_slice %arg6[%dma_wait3A_219, %dma_wait3A_225] : memref<2x512xi32, #tpu.memory_space<vmem>> -> memref<1x512xi32, #tpu.memory_space<vmem>>
      %dma_wait3A_227 = tpu.memref_squeeze %dma_wait3A_226 : memref<1x512xi32, #tpu.memory_space<vmem>> -> memref<512xi32, #tpu.memory_space<vmem>>
      %dma_wait3A_228 = arith.constant 0 : i32
      %dma_wait3A_229 = arith.constant 0 : i32
      %dma_wait3A_230 = tpu.memref_slice %arg2[%dma_wait3A_228, %dma_wait3A_229] : memref<2000000x64xf32, #tpu.memory_space<hbm>> -> memref<2000000x64xf32, #tpu.memory_space<hbm>>
      tpu.wait_indirect_dma semaphore(%arg10 : memref<!tpu.dma_semaphore, #tpu.memory_space<semaphore_mem>>) src(%dma_wait3A_230 : memref<2000000x64xf32, #tpu.memory_space<hbm>>) dst(%dma_wait3A_224 : memref<512x64xf32, #tpu.memory_space<vmem>>)
      %ge3A_231 = arith.constant 1 : i32
      %ge3A_232 = arith.cmpi sge, %add3A_211, %ge3A_231 : i32
      %convert_element_type3A_233 = arith.extui %ge3A_232 : i1 to i32
      %cond3A_234 = arith.constant 0 : i32
      %cond3A_235 = arith.cmpi ne, %convert_element_type3A_233, %cond3A_234 : i32
      scf.if %cond3A_235 {
        %add3A_328 = arith.constant 0 : i32
        %add3A_329 = arith.addi %select_n3A, %add3A_328 : i32
        %dma_wait3A_330 = arith.constant 0 : i32
        %dma_wait3A_331 = arith.constant 0 : i32
        %dma_wait3A_332 = arith.constant 0 : i32
        %dma_wait3A_333 = arith.constant 0 : i32
        %dma_wait3A_334 = arith.constant 0 : i32
        %dma_wait3A_335 = arith.constant 0 : i32
        %dma_wait3A_336 = tpu.memref_slice %arg8[%dma_wait3A_330, %dma_wait3A_331, %dma_wait3A_332, %dma_wait3A_333, %dma_wait3A_334, %dma_wait3A_335] : memref<2x1x8x2x8x128xf32, #tpu.memory_space<vmem>> -> memref<1x1x8x2x8x128xf32, #tpu.memory_space<vmem>>
        %dma_wait3A_337 = tpu.memref_squeeze %dma_wait3A_336 : memref<1x1x8x2x8x128xf32, #tpu.memory_space<vmem>> -> memref<1x8x2x8x128xf32, #tpu.memory_space<vmem>>
        %dma_wait3A_338 = arith.constant 0 : i32
        %dma_wait3A_339 = arith.constant 0 : i32
        %dma_wait3A_340 = arith.constant 0 : i32
        %dma_wait3A_341 = tpu.memref_slice %arg4[%add3A_211, %dma_wait3A_338, %add3A_329, %dma_wait3A_339, %dma_wait3A_340] : memref<50x8x128x8x128xf32, #tpu.memory_space<hbm>> -> memref<1x8x2x8x128xf32, #tpu.memory_space<hbm>>
        %dma_wait3A_342 = arith.constant 0 : i32
        %dma_wait3A_343 = arith.constant 0 : i32
        %dma_wait3A_344 = arith.constant 0 : i32
        %dma_wait3A_345 = tpu.memref_slice %arg4[%add3A_211, %dma_wait3A_342, %add3A_329, %dma_wait3A_343, %dma_wait3A_344] : memref<50x8x128x8x128xf32, #tpu.memory_space<hbm>> -> memref<1x8x2x8x128xf32, #tpu.memory_space<hbm>>
        %dma_wait3A_346 = arith.constant 0 : i32
        %dma_wait3A_347 = arith.constant 0 : i32
        %dma_wait3A_348 = arith.constant 0 : i32
        %dma_wait3A_349 = arith.constant 0 : i32
        %dma_wait3A_350 = arith.constant 0 : i32
        %dma_wait3A_351 = tpu.memref_slice %arg8[%dma_wait3A_330, %dma_wait3A_346, %dma_wait3A_347, %dma_wait3A_348, %dma_wait3A_349, %dma_wait3A_350] : memref<2x1x8x2x8x128xf32, #tpu.memory_space<vmem>> -> memref<1x1x8x2x8x128xf32, #tpu.memory_space<vmem>>
        %dma_wait3A_352 = tpu.memref_squeeze %dma_wait3A_351 : memref<1x1x8x2x8x128xf32, #tpu.memory_space<vmem>> -> memref<1x8x2x8x128xf32, #tpu.memory_space<vmem>>
        tpu.wait_dma2 semaphore(%arg11 : memref<!tpu.dma_semaphore, #tpu.memory_space<semaphore_mem>>) src(%dma_wait3A_352 : memref<1x8x2x8x128xf32, #tpu.memory_space<vmem>>) dst(%dma_wait3A_345 : memref<1x8x2x8x128xf32, #tpu.memory_space<hbm>>)
      } else {
      }
      %mul3A_236 = arith.constant 0 : i32
      %mul3A_237 = vector.broadcast %mul3A_236 : i32 to vector<16xi32>
      %mul3A_238 = arith.muli %iota3A, %mul3A_237 : vector<16xi32>
      %add3A_239 = arith.constant 0 : i32
      %add3A_240 = vector.broadcast %add3A_239 : i32 to vector<16xi32>
      %add3A_241 = arith.addi %mul3A_238, %add3A_240 : vector<16xi32>
      %parallel_loop3A_242 = arith.constant 0 : i32
      %parallel_loop3A_243 = arith.constant 512 : i32
      %parallel_loop3A_244 = arith.constant 1 : i32
      scf.for %parallel_loop3A_328 = %parallel_loop3A_242 to %parallel_loop3A_243 step %parallel_loop3A_244  : i32 {
        %parallel_loop3A_329 = arith.constant 6 : i32
        %parallel_loop3A_330 = arith.shrsi %parallel_loop3A_328, %parallel_loop3A_329 : i32
        %parallel_loop3A_331 = arith.constant 63 : i32
        %parallel_loop3A_332 = arith.andi %parallel_loop3A_328, %parallel_loop3A_331 : i32
        %parallel_loop3A_333 = arith.constant 16 : i32
        %parallel_loop3A_334 = arith.muli %parallel_loop3A_330, %parallel_loop3A_333 : i32
        %parallel_loop3A_335 = vector.broadcast %parallel_loop3A_334 : i32 to vector<16xi32>
        %parallel_loop3A_336 = arith.addi %parallel_loop3A_335, %iota3A : vector<16xi32>
        %parallel_loop3A_337 = vector.broadcast %parallel_loop3A_332 : i32 to vector<16xi32>
        %parallel_loop3A_338 = arith.addi %parallel_loop3A_337, %iota3A : vector<16xi32>
        %parallel_loop3A_339 = arith.constant 63 : i32
        %parallel_loop3A_340 = vector.broadcast %parallel_loop3A_339 : i32 to vector<16xi32>
        %parallel_loop3A_341 = arith.andi %parallel_loop3A_338, %parallel_loop3A_340 : vector<16xi32>
        %parallel_loop3A_342 = arith.constant 0 : i32
        %parallel_loop3A_343 = vector.broadcast %parallel_loop3A_342 : i32 to vector<16xi32>
        %parallel_loop3A_344 = arith.addi %parallel_loop3A_343, %parallel_loop3A_336 : vector<16xi32>
        %parallel_loop3A_345 = arith.constant 1 : i32
        %parallel_loop3A_346 = arith.constant 0 : i32
        %parallel_loop3A_347 = arith.constant 0 : i32
        %parallel_loop3A_348 = tpu.memref_slice %arg7[%parallel_loop3A_345, %parallel_loop3A_346, %parallel_loop3A_347] : memref<2x512x64xf32, #tpu.memory_space<vmem>> -> memref<1x512x64xf32, #tpu.memory_space<vmem>>
        %parallel_loop3A_349 = tpu.memref_squeeze %parallel_loop3A_348 : memref<1x512x64xf32, #tpu.memory_space<vmem>> -> memref<512x64xf32, #tpu.memory_space<vmem>>
        %parallel_loop3A_350 = tpu.vector_load_idx %parallel_loop3A_349[%parallel_loop3A_344, %parallel_loop3A_341] : memref<512x64xf32, #tpu.memory_space<vmem>>[vector<16xi32>, vector<16xi32>], vector<16xf32>,
        %parallel_loop3A_351 = arith.constant 3 : i32
        %parallel_loop3A_352 = vector.broadcast %parallel_loop3A_351 : i32 to vector<16xi32>
        %parallel_loop3A_353 = arith.shrsi %parallel_loop3A_341, %parallel_loop3A_352 : vector<16xi32>
        %parallel_loop3A_354 = arith.constant 7 : i32
        %parallel_loop3A_355 = vector.broadcast %parallel_loop3A_354 : i32 to vector<16xi32>
        %parallel_loop3A_356 = arith.andi %parallel_loop3A_341, %parallel_loop3A_355 : vector<16xi32>
        %parallel_loop3A_357 = arith.constant 0 : i32
        %parallel_loop3A_358 = arith.constant 0 : i32
        %parallel_loop3A_359 = arith.constant 0 : i32
        %parallel_loop3A_360 = arith.constant 0 : i32
        %parallel_loop3A_361 = arith.constant 0 : i32
        %parallel_loop3A_362 = arith.constant 0 : i32
        %parallel_loop3A_363 = tpu.memref_slice %arg8[%parallel_loop3A_357, %parallel_loop3A_358, %parallel_loop3A_359, %parallel_loop3A_360, %parallel_loop3A_361, %parallel_loop3A_362] : memref<2x1x8x2x8x128xf32, #tpu.memory_space<vmem>> -> memref<1x1x8x2x8x128xf32, #tpu.memory_space<vmem>>
        %parallel_loop3A_364 = tpu.memref_squeeze %parallel_loop3A_363 : memref<1x1x8x2x8x128xf32, #tpu.memory_space<vmem>> -> memref<8x2x8x128xf32, #tpu.memory_space<vmem>>
        tpu.vector_store_idx %parallel_loop3A_364[%parallel_loop3A_353, %add3A_241, %parallel_loop3A_356, %parallel_loop3A_336], %parallel_loop3A_350 : memref<8x2x8x128xf32, #tpu.memory_space<vmem>>[vector<16xi32>, vector<16xi32>, vector<16xi32>, vector<16xi32>], vector<16xf32>,
      } {sc.loop_unroll_factor = 2 : i64, sc.parallel_access}
      %mul3A_245 = arith.constant 0 : i32
      %mul3A_246 = vector.broadcast %mul3A_245 : i32 to vector<16xi32>
      %mul3A_247 = arith.muli %iota3A, %mul3A_246 : vector<16xi32>
      %add3A_248 = arith.constant 1 : i32
      %add3A_249 = vector.broadcast %add3A_248 : i32 to vector<16xi32>
      %add3A_250 = arith.addi %mul3A_247, %add3A_249 : vector<16xi32>
      %parallel_loop3A_251 = arith.constant 0 : i32
      %parallel_loop3A_252 = arith.constant 512 : i32
      %parallel_loop3A_253 = arith.constant 1 : i32
      scf.for %parallel_loop3A_328 = %parallel_loop3A_251 to %parallel_loop3A_252 step %parallel_loop3A_253  : i32 {
        %parallel_loop3A_329 = arith.constant 6 : i32
        %parallel_loop3A_330 = arith.shrsi %parallel_loop3A_328, %parallel_loop3A_329 : i32
        %parallel_loop3A_331 = arith.constant 63 : i32
        %parallel_loop3A_332 = arith.andi %parallel_loop3A_328, %parallel_loop3A_331 : i32
        %parallel_loop3A_333 = arith.constant 16 : i32
        %parallel_loop3A_334 = arith.muli %parallel_loop3A_330, %parallel_loop3A_333 : i32
        %parallel_loop3A_335 = vector.broadcast %parallel_loop3A_334 : i32 to vector<16xi32>
        %parallel_loop3A_336 = arith.addi %parallel_loop3A_335, %iota3A : vector<16xi32>
        %parallel_loop3A_337 = vector.broadcast %parallel_loop3A_332 : i32 to vector<16xi32>
        %parallel_loop3A_338 = arith.addi %parallel_loop3A_337, %iota3A : vector<16xi32>
        %parallel_loop3A_339 = arith.constant 63 : i32
        %parallel_loop3A_340 = vector.broadcast %parallel_loop3A_339 : i32 to vector<16xi32>
        %parallel_loop3A_341 = arith.andi %parallel_loop3A_338, %parallel_loop3A_340 : vector<16xi32>
        %parallel_loop3A_342 = arith.constant 128 : i32
        %parallel_loop3A_343 = vector.broadcast %parallel_loop3A_342 : i32 to vector<16xi32>
        %parallel_loop3A_344 = arith.addi %parallel_loop3A_343, %parallel_loop3A_336 : vector<16xi32>
        %parallel_loop3A_345 = arith.constant 1 : i32
        %parallel_loop3A_346 = arith.constant 0 : i32
        %parallel_loop3A_347 = arith.constant 0 : i32
        %parallel_loop3A_348 = tpu.memref_slice %arg7[%parallel_loop3A_345, %parallel_loop3A_346, %parallel_loop3A_347] : memref<2x512x64xf32, #tpu.memory_space<vmem>> -> memref<1x512x64xf32, #tpu.memory_space<vmem>>
        %parallel_loop3A_349 = tpu.memref_squeeze %parallel_loop3A_348 : memref<1x512x64xf32, #tpu.memory_space<vmem>> -> memref<512x64xf32, #tpu.memory_space<vmem>>
        %parallel_loop3A_350 = tpu.vector_load_idx %parallel_loop3A_349[%parallel_loop3A_344, %parallel_loop3A_341] : memref<512x64xf32, #tpu.memory_space<vmem>>[vector<16xi32>, vector<16xi32>], vector<16xf32>,
        %parallel_loop3A_351 = arith.constant 3 : i32
        %parallel_loop3A_352 = vector.broadcast %parallel_loop3A_351 : i32 to vector<16xi32>
        %parallel_loop3A_353 = arith.shrsi %parallel_loop3A_341, %parallel_loop3A_352 : vector<16xi32>
        %parallel_loop3A_354 = arith.constant 7 : i32
        %parallel_loop3A_355 = vector.broadcast %parallel_loop3A_354 : i32 to vector<16xi32>
        %parallel_loop3A_356 = arith.andi %parallel_loop3A_341, %parallel_loop3A_355 : vector<16xi32>
        %parallel_loop3A_357 = arith.constant 0 : i32
        %parallel_loop3A_358 = arith.constant 0 : i32
        %parallel_loop3A_359 = arith.constant 0 : i32
        %parallel_loop3A_360 = arith.constant 0 : i32
        %parallel_loop3A_361 = arith.constant 0 : i32
        %parallel_loop3A_362 = arith.constant 0 : i32
        %parallel_loop3A_363 = tpu.memref_slice %arg8[%parallel_loop3A_357, %parallel_loop3A_358, %parallel_loop3A_359, %parallel_loop3A_360, %parallel_loop3A_361, %parallel_loop3A_362] : memref<2x1x8x2x8x128xf32, #tpu.memory_space<vmem>> -> memref<1x1x8x2x8x128xf32, #tpu.memory_space<vmem>>
        %parallel_loop3A_364 = tpu.memref_squeeze %parallel_loop3A_363 : memref<1x1x8x2x8x128xf32, #tpu.memory_space<vmem>> -> memref<8x2x8x128xf32, #tpu.memory_space<vmem>>
        tpu.vector_store_idx %parallel_loop3A_364[%parallel_loop3A_353, %add3A_250, %parallel_loop3A_356, %parallel_loop3A_336], %parallel_loop3A_350 : memref<8x2x8x128xf32, #tpu.memory_space<vmem>>[vector<16xi32>, vector<16xi32>, vector<16xi32>, vector<16xi32>], vector<16xf32>,
      } {sc.loop_unroll_factor = 2 : i64, sc.parallel_access}
      %add3A_254 = arith.constant 0 : i32
      %add3A_255 = arith.addi %select_n3A, %add3A_254 : i32
      %dma_start3A_256 = arith.constant 0 : i32
      %dma_start3A_257 = arith.constant 0 : i32
      %dma_start3A_258 = arith.constant 0 : i32
      %dma_start3A_259 = arith.constant 0 : i32
      %dma_start3A_260 = arith.constant 0 : i32
      %dma_start3A_261 = arith.constant 0 : i32
      %dma_start3A_262 = tpu.memref_slice %arg8[%dma_start3A_256, %dma_start3A_257, %dma_start3A_258, %dma_start3A_259, %dma_start3A_260, %dma_start3A_261] : memref<2x1x8x2x8x128xf32, #tpu.memory_space<vmem>> -> memref<1x1x8x2x8x128xf32, #tpu.memory_space<vmem>>
      %dma_start3A_263 = tpu.memref_squeeze %dma_start3A_262 : memref<1x1x8x2x8x128xf32, #tpu.memory_space<vmem>> -> memref<1x8x2x8x128xf32, #tpu.memory_space<vmem>>
      %dma_start3A_264 = arith.constant 0 : i32
      %dma_start3A_265 = arith.constant 0 : i32
      %dma_start3A_266 = arith.constant 0 : i32
      %dma_start3A_267 = tpu.memref_slice %arg4[%add3A_211, %dma_start3A_264, %add3A_255, %dma_start3A_265, %dma_start3A_266] : memref<50x8x128x8x128xf32, #tpu.memory_space<hbm>> -> memref<1x8x2x8x128xf32, #tpu.memory_space<hbm>>
      %dma_start3A_268 = arith.constant 0 : i32
      %dma_start3A_269 = arith.constant 0 : i32
      %dma_start3A_270 = arith.constant 0 : i32
      %dma_start3A_271 = tpu.memref_slice %arg4[%add3A_211, %dma_start3A_268, %add3A_255, %dma_start3A_269, %dma_start3A_270] : memref<50x8x128x8x128xf32, #tpu.memory_space<hbm>> -> memref<1x8x2x8x128xf32, #tpu.memory_space<hbm>>
      %dma_start3A_272 = arith.constant 0 : i32
      %dma_start3A_273 = arith.constant 0 : i32
      %dma_start3A_274 = arith.constant 0 : i32
      %dma_start3A_275 = arith.constant 0 : i32
      %dma_start3A_276 = arith.constant 0 : i32
      %dma_start3A_277 = tpu.memref_slice %arg8[%dma_start3A_256, %dma_start3A_272, %dma_start3A_273, %dma_start3A_274, %dma_start3A_275, %dma_start3A_276] : memref<2x1x8x2x8x128xf32, #tpu.memory_space<vmem>> -> memref<1x1x8x2x8x128xf32, #tpu.memory_space<vmem>>
      %dma_start3A_278 = tpu.memref_squeeze %dma_start3A_277 : memref<1x1x8x2x8x128xf32, #tpu.memory_space<vmem>> -> memref<1x8x2x8x128xf32, #tpu.memory_space<vmem>>
      tpu.enqueue_dma source(%dma_start3A_278 : memref<1x8x2x8x128xf32, #tpu.memory_space<vmem>>) target(%dma_start3A_271 : memref<1x8x2x8x128xf32, #tpu.memory_space<hbm>>) target_semaphore(%arg11 : memref<!tpu.dma_semaphore, #tpu.memory_space<semaphore_mem>>)
      %ge3A_279 = arith.constant 1 : i32
      %ge3A_280 = arith.cmpi sge, %add3A_211, %ge3A_279 : i32
      %convert_element_type3A_281 = arith.extui %ge3A_280 : i1 to i32
      %cond3A_282 = arith.constant 0 : i32
      %cond3A_283 = arith.cmpi ne, %convert_element_type3A_281, %cond3A_282 : i32
      scf.if %cond3A_283 {
        %add3A_328 = arith.constant 2 : i32
        %add3A_329 = arith.addi %select_n3A, %add3A_328 : i32
        %dma_wait3A_330 = arith.constant 1 : i32
        %dma_wait3A_331 = arith.constant 0 : i32
        %dma_wait3A_332 = arith.constant 0 : i32
        %dma_wait3A_333 = arith.constant 0 : i32
        %dma_wait3A_334 = arith.constant 0 : i32
        %dma_wait3A_335 = arith.constant 0 : i32
        %dma_wait3A_336 = tpu.memref_slice %arg8[%dma_wait3A_330, %dma_wait3A_331, %dma_wait3A_332, %dma_wait3A_333, %dma_wait3A_334, %dma_wait3A_335] : memref<2x1x8x2x8x128xf32, #tpu.memory_space<vmem>> -> memref<1x1x8x2x8x128xf32, #tpu.memory_space<vmem>>
        %dma_wait3A_337 = tpu.memref_squeeze %dma_wait3A_336 : memref<1x1x8x2x8x128xf32, #tpu.memory_space<vmem>> -> memref<1x8x2x8x128xf32, #tpu.memory_space<vmem>>
        %dma_wait3A_338 = arith.constant 0 : i32
        %dma_wait3A_339 = arith.constant 0 : i32
        %dma_wait3A_340 = arith.constant 0 : i32
        %dma_wait3A_341 = tpu.memref_slice %arg4[%add3A_211, %dma_wait3A_338, %add3A_329, %dma_wait3A_339, %dma_wait3A_340] : memref<50x8x128x8x128xf32, #tpu.memory_space<hbm>> -> memref<1x8x2x8x128xf32, #tpu.memory_space<hbm>>
        %dma_wait3A_342 = arith.constant 0 : i32
        %dma_wait3A_343 = arith.constant 0 : i32
        %dma_wait3A_344 = arith.constant 0 : i32
        %dma_wait3A_345 = tpu.memref_slice %arg4[%add3A_211, %dma_wait3A_342, %add3A_329, %dma_wait3A_343, %dma_wait3A_344] : memref<50x8x128x8x128xf32, #tpu.memory_space<hbm>> -> memref<1x8x2x8x128xf32, #tpu.memory_space<hbm>>
        %dma_wait3A_346 = arith.constant 0 : i32
        %dma_wait3A_347 = arith.constant 0 : i32
        %dma_wait3A_348 = arith.constant 0 : i32
        %dma_wait3A_349 = arith.constant 0 : i32
        %dma_wait3A_350 = arith.constant 0 : i32
        %dma_wait3A_351 = tpu.memref_slice %arg8[%dma_wait3A_330, %dma_wait3A_346, %dma_wait3A_347, %dma_wait3A_348, %dma_wait3A_349, %dma_wait3A_350] : memref<2x1x8x2x8x128xf32, #tpu.memory_space<vmem>> -> memref<1x1x8x2x8x128xf32, #tpu.memory_space<vmem>>
        %dma_wait3A_352 = tpu.memref_squeeze %dma_wait3A_351 : memref<1x1x8x2x8x128xf32, #tpu.memory_space<vmem>> -> memref<1x8x2x8x128xf32, #tpu.memory_space<vmem>>
        tpu.wait_dma2 semaphore(%arg12 : memref<!tpu.dma_semaphore, #tpu.memory_space<semaphore_mem>>) src(%dma_wait3A_352 : memref<1x8x2x8x128xf32, #tpu.memory_space<vmem>>) dst(%dma_wait3A_345 : memref<1x8x2x8x128xf32, #tpu.memory_space<hbm>>)
      } else {
      }
      %mul3A_284 = arith.constant 0 : i32
      %mul3A_285 = vector.broadcast %mul3A_284 : i32 to vector<16xi32>
      %mul3A_286 = arith.muli %iota3A, %mul3A_285 : vector<16xi32>
      %add3A_287 = arith.constant 0 : i32
      %add3A_288 = vector.broadcast %add3A_287 : i32 to vector<16xi32>
      %add3A_289 = arith.addi %mul3A_286, %add3A_288 : vector<16xi32>
      %parallel_loop3A_290 = arith.constant 0 : i32
      %parallel_loop3A_291 = arith.constant 512 : i32
      %parallel_loop3A_292 = arith.constant 1 : i32
      scf.for %parallel_loop3A_328 = %parallel_loop3A_290 to %parallel_loop3A_291 step %parallel_loop3A_292  : i32 {
        %parallel_loop3A_329 = arith.constant 6 : i32
        %parallel_loop3A_330 = arith.shrsi %parallel_loop3A_328, %parallel_loop3A_329 : i32
        %parallel_loop3A_331 = arith.constant 63 : i32
        %parallel_loop3A_332 = arith.andi %parallel_loop3A_328, %parallel_loop3A_331 : i32
        %parallel_loop3A_333 = arith.constant 16 : i32
        %parallel_loop3A_334 = arith.muli %parallel_loop3A_330, %parallel_loop3A_333 : i32
        %parallel_loop3A_335 = vector.broadcast %parallel_loop3A_334 : i32 to vector<16xi32>
        %parallel_loop3A_336 = arith.addi %parallel_loop3A_335, %iota3A : vector<16xi32>
        %parallel_loop3A_337 = vector.broadcast %parallel_loop3A_332 : i32 to vector<16xi32>
        %parallel_loop3A_338 = arith.addi %parallel_loop3A_337, %iota3A : vector<16xi32>
        %parallel_loop3A_339 = arith.constant 63 : i32
        %parallel_loop3A_340 = vector.broadcast %parallel_loop3A_339 : i32 to vector<16xi32>
        %parallel_loop3A_341 = arith.andi %parallel_loop3A_338, %parallel_loop3A_340 : vector<16xi32>
        %parallel_loop3A_342 = arith.constant 256 : i32
        %parallel_loop3A_343 = vector.broadcast %parallel_loop3A_342 : i32 to vector<16xi32>
        %parallel_loop3A_344 = arith.addi %parallel_loop3A_343, %parallel_loop3A_336 : vector<16xi32>
        %parallel_loop3A_345 = arith.constant 1 : i32
        %parallel_loop3A_346 = arith.constant 0 : i32
        %parallel_loop3A_347 = arith.constant 0 : i32
        %parallel_loop3A_348 = tpu.memref_slice %arg7[%parallel_loop3A_345, %parallel_loop3A_346, %parallel_loop3A_347] : memref<2x512x64xf32, #tpu.memory_space<vmem>> -> memref<1x512x64xf32, #tpu.memory_space<vmem>>
        %parallel_loop3A_349 = tpu.memref_squeeze %parallel_loop3A_348 : memref<1x512x64xf32, #tpu.memory_space<vmem>> -> memref<512x64xf32, #tpu.memory_space<vmem>>
        %parallel_loop3A_350 = tpu.vector_load_idx %parallel_loop3A_349[%parallel_loop3A_344, %parallel_loop3A_341] : memref<512x64xf32, #tpu.memory_space<vmem>>[vector<16xi32>, vector<16xi32>], vector<16xf32>,
        %parallel_loop3A_351 = arith.constant 3 : i32
        %parallel_loop3A_352 = vector.broadcast %parallel_loop3A_351 : i32 to vector<16xi32>
        %parallel_loop3A_353 = arith.shrsi %parallel_loop3A_341, %parallel_loop3A_352 : vector<16xi32>
        %parallel_loop3A_354 = arith.constant 7 : i32
        %parallel_loop3A_355 = vector.broadcast %parallel_loop3A_354 : i32 to vector<16xi32>
        %parallel_loop3A_356 = arith.andi %parallel_loop3A_341, %parallel_loop3A_355 : vector<16xi32>
        %parallel_loop3A_357 = arith.constant 1 : i32
        %parallel_loop3A_358 = arith.constant 0 : i32
        %parallel_loop3A_359 = arith.constant 0 : i32
        %parallel_loop3A_360 = arith.constant 0 : i32
        %parallel_loop3A_361 = arith.constant 0 : i32
        %parallel_loop3A_362 = arith.constant 0 : i32
        %parallel_loop3A_363 = tpu.memref_slice %arg8[%parallel_loop3A_357, %parallel_loop3A_358, %parallel_loop3A_359, %parallel_loop3A_360, %parallel_loop3A_361, %parallel_loop3A_362] : memref<2x1x8x2x8x128xf32, #tpu.memory_space<vmem>> -> memref<1x1x8x2x8x128xf32, #tpu.memory_space<vmem>>
        %parallel_loop3A_364 = tpu.memref_squeeze %parallel_loop3A_363 : memref<1x1x8x2x8x128xf32, #tpu.memory_space<vmem>> -> memref<8x2x8x128xf32, #tpu.memory_space<vmem>>
        tpu.vector_store_idx %parallel_loop3A_364[%parallel_loop3A_353, %add3A_289, %parallel_loop3A_356, %parallel_loop3A_336], %parallel_loop3A_350 : memref<8x2x8x128xf32, #tpu.memory_space<vmem>>[vector<16xi32>, vector<16xi32>, vector<16xi32>, vector<16xi32>], vector<16xf32>,
      } {sc.loop_unroll_factor = 2 : i64, sc.parallel_access}
      %mul3A_293 = arith.constant 0 : i32
      %mul3A_294 = vector.broadcast %mul3A_293 : i32 to vector<16xi32>
      %mul3A_295 = arith.muli %iota3A, %mul3A_294 : vector<16xi32>
      %add3A_296 = arith.constant 1 : i32
      %add3A_297 = vector.broadcast %add3A_296 : i32 to vector<16xi32>
      %add3A_298 = arith.addi %mul3A_295, %add3A_297 : vector<16xi32>
      %parallel_loop3A_299 = arith.constant 0 : i32
      %parallel_loop3A_300 = arith.constant 512 : i32
      %parallel_loop3A_301 = arith.constant 1 : i32
      scf.for %parallel_loop3A_328 = %parallel_loop3A_299 to %parallel_loop3A_300 step %parallel_loop3A_301  : i32 {
        %parallel_loop3A_329 = arith.constant 6 : i32
        %parallel_loop3A_330 = arith.shrsi %parallel_loop3A_328, %parallel_loop3A_329 : i32
        %parallel_loop3A_331 = arith.constant 63 : i32
        %parallel_loop3A_332 = arith.andi %parallel_loop3A_328, %parallel_loop3A_331 : i32
        %parallel_loop3A_333 = arith.constant 16 : i32
        %parallel_loop3A_334 = arith.muli %parallel_loop3A_330, %parallel_loop3A_333 : i32
        %parallel_loop3A_335 = vector.broadcast %parallel_loop3A_334 : i32 to vector<16xi32>
        %parallel_loop3A_336 = arith.addi %parallel_loop3A_335, %iota3A : vector<16xi32>
        %parallel_loop3A_337 = vector.broadcast %parallel_loop3A_332 : i32 to vector<16xi32>
        %parallel_loop3A_338 = arith.addi %parallel_loop3A_337, %iota3A : vector<16xi32>
        %parallel_loop3A_339 = arith.constant 63 : i32
        %parallel_loop3A_340 = vector.broadcast %parallel_loop3A_339 : i32 to vector<16xi32>
        %parallel_loop3A_341 = arith.andi %parallel_loop3A_338, %parallel_loop3A_340 : vector<16xi32>
        %parallel_loop3A_342 = arith.constant 384 : i32
        %parallel_loop3A_343 = vector.broadcast %parallel_loop3A_342 : i32 to vector<16xi32>
        %parallel_loop3A_344 = arith.addi %parallel_loop3A_343, %parallel_loop3A_336 : vector<16xi32>
        %parallel_loop3A_345 = arith.constant 1 : i32
        %parallel_loop3A_346 = arith.constant 0 : i32
        %parallel_loop3A_347 = arith.constant 0 : i32
        %parallel_loop3A_348 = tpu.memref_slice %arg7[%parallel_loop3A_345, %parallel_loop3A_346, %parallel_loop3A_347] : memref<2x512x64xf32, #tpu.memory_space<vmem>> -> memref<1x512x64xf32, #tpu.memory_space<vmem>>
        %parallel_loop3A_349 = tpu.memref_squeeze %parallel_loop3A_348 : memref<1x512x64xf32, #tpu.memory_space<vmem>> -> memref<512x64xf32, #tpu.memory_space<vmem>>
        %parallel_loop3A_350 = tpu.vector_load_idx %parallel_loop3A_349[%parallel_loop3A_344, %parallel_loop3A_341] : memref<512x64xf32, #tpu.memory_space<vmem>>[vector<16xi32>, vector<16xi32>], vector<16xf32>,
        %parallel_loop3A_351 = arith.constant 3 : i32
        %parallel_loop3A_352 = vector.broadcast %parallel_loop3A_351 : i32 to vector<16xi32>
        %parallel_loop3A_353 = arith.shrsi %parallel_loop3A_341, %parallel_loop3A_352 : vector<16xi32>
        %parallel_loop3A_354 = arith.constant 7 : i32
        %parallel_loop3A_355 = vector.broadcast %parallel_loop3A_354 : i32 to vector<16xi32>
        %parallel_loop3A_356 = arith.andi %parallel_loop3A_341, %parallel_loop3A_355 : vector<16xi32>
        %parallel_loop3A_357 = arith.constant 1 : i32
        %parallel_loop3A_358 = arith.constant 0 : i32
        %parallel_loop3A_359 = arith.constant 0 : i32
        %parallel_loop3A_360 = arith.constant 0 : i32
        %parallel_loop3A_361 = arith.constant 0 : i32
        %parallel_loop3A_362 = arith.constant 0 : i32
        %parallel_loop3A_363 = tpu.memref_slice %arg8[%parallel_loop3A_357, %parallel_loop3A_358, %parallel_loop3A_359, %parallel_loop3A_360, %parallel_loop3A_361, %parallel_loop3A_362] : memref<2x1x8x2x8x128xf32, #tpu.memory_space<vmem>> -> memref<1x1x8x2x8x128xf32, #tpu.memory_space<vmem>>
        %parallel_loop3A_364 = tpu.memref_squeeze %parallel_loop3A_363 : memref<1x1x8x2x8x128xf32, #tpu.memory_space<vmem>> -> memref<8x2x8x128xf32, #tpu.memory_space<vmem>>
        tpu.vector_store_idx %parallel_loop3A_364[%parallel_loop3A_353, %add3A_298, %parallel_loop3A_356, %parallel_loop3A_336], %parallel_loop3A_350 : memref<8x2x8x128xf32, #tpu.memory_space<vmem>>[vector<16xi32>, vector<16xi32>, vector<16xi32>, vector<16xi32>], vector<16xf32>,
      } {sc.loop_unroll_factor = 2 : i64, sc.parallel_access}
      %add3A_302 = arith.constant 2 : i32
      %add3A_303 = arith.addi %select_n3A, %add3A_302 : i32
      %dma_start3A_304 = arith.constant 1 : i32
      %dma_start3A_305 = arith.constant 0 : i32
      %dma_start3A_306 = arith.constant 0 : i32
      %dma_start3A_307 = arith.constant 0 : i32
      %dma_start3A_308 = arith.constant 0 : i32
      %dma_start3A_309 = arith.constant 0 : i32
      %dma_start3A_310 = tpu.memref_slice %arg8[%dma_start3A_304, %dma_start3A_305, %dma_start3A_306, %dma_start3A_307, %dma_start3A_308, %dma_start3A_309] : memref<2x1x8x2x8x128xf32, #tpu.memory_space<vmem>> -> memref<1x1x8x2x8x128xf32, #tpu.memory_space<vmem>>
      %dma_start3A_311 = tpu.memref_squeeze %dma_start3A_310 : memref<1x1x8x2x8x128xf32, #tpu.memory_space<vmem>> -> memref<1x8x2x8x128xf32, #tpu.memory_space<vmem>>
      %dma_start3A_312 = arith.constant 0 : i32
      %dma_start3A_313 = arith.constant 0 : i32
      %dma_start3A_314 = arith.constant 0 : i32
      %dma_start3A_315 = tpu.memref_slice %arg4[%add3A_211, %dma_start3A_312, %add3A_303, %dma_start3A_313, %dma_start3A_314] : memref<50x8x128x8x128xf32, #tpu.memory_space<hbm>> -> memref<1x8x2x8x128xf32, #tpu.memory_space<hbm>>
      %dma_start3A_316 = arith.constant 0 : i32
      %dma_start3A_317 = arith.constant 0 : i32
      %dma_start3A_318 = arith.constant 0 : i32
      %dma_start3A_319 = tpu.memref_slice %arg4[%add3A_211, %dma_start3A_316, %add3A_303, %dma_start3A_317, %dma_start3A_318] : memref<50x8x128x8x128xf32, #tpu.memory_space<hbm>> -> memref<1x8x2x8x128xf32, #tpu.memory_space<hbm>>
      %dma_start3A_320 = arith.constant 0 : i32
      %dma_start3A_321 = arith.constant 0 : i32
      %dma_start3A_322 = arith.constant 0 : i32
      %dma_start3A_323 = arith.constant 0 : i32
      %dma_start3A_324 = arith.constant 0 : i32
      %dma_start3A_325 = tpu.memref_slice %arg8[%dma_start3A_304, %dma_start3A_320, %dma_start3A_321, %dma_start3A_322, %dma_start3A_323, %dma_start3A_324] : memref<2x1x8x2x8x128xf32, #tpu.memory_space<vmem>> -> memref<1x1x8x2x8x128xf32, #tpu.memory_space<vmem>>
      %dma_start3A_326 = tpu.memref_squeeze %dma_start3A_325 : memref<1x1x8x2x8x128xf32, #tpu.memory_space<vmem>> -> memref<1x8x2x8x128xf32, #tpu.memory_space<vmem>>
      tpu.enqueue_dma source(%dma_start3A_326 : memref<1x8x2x8x128xf32, #tpu.memory_space<vmem>>) target(%dma_start3A_319 : memref<1x8x2x8x128xf32, #tpu.memory_space<hbm>>) target_semaphore(%arg12 : memref<!tpu.dma_semaphore, #tpu.memory_space<semaphore_mem>>)
      %scan3A_327 = arith.constant 0 : i32
      scf.yield %scan3A_327 : i32
    }
    %scan3A_37 = arith.constant 25 : i32
    %add3A_38 = arith.constant 0 : i32
    %add3A_39 = arith.addi %select_n3A, %add3A_38 : i32
    %dma_wait3A = arith.constant 0 : i32
    %dma_wait3A_40 = arith.constant 0 : i32
    %dma_wait3A_41 = arith.constant 0 : i32
    %dma_wait3A_42 = arith.constant 0 : i32
    %dma_wait3A_43 = arith.constant 0 : i32
    %dma_wait3A_44 = arith.constant 0 : i32
    %dma_wait3A_45 = tpu.memref_slice %arg8[%dma_wait3A, %dma_wait3A_40, %dma_wait3A_41, %dma_wait3A_42, %dma_wait3A_43, %dma_wait3A_44] : memref<2x1x8x2x8x128xf32, #tpu.memory_space<vmem>> -> memref<1x1x8x2x8x128xf32, #tpu.memory_space<vmem>>
    %dma_wait3A_46 = tpu.memref_squeeze %dma_wait3A_45 : memref<1x1x8x2x8x128xf32, #tpu.memory_space<vmem>> -> memref<1x8x2x8x128xf32, #tpu.memory_space<vmem>>
    %dma_wait3A_47 = arith.constant 49 : i32
    %dma_wait3A_48 = arith.constant 0 : i32
    %dma_wait3A_49 = arith.constant 0 : i32
    %dma_wait3A_50 = arith.constant 0 : i32
    %dma_wait3A_51 = tpu.memref_slice %arg4[%dma_wait3A_47, %dma_wait3A_48, %add3A_39, %dma_wait3A_49, %dma_wait3A_50] : memref<50x8x128x8x128xf32, #tpu.memory_space<hbm>> -> memref<1x8x2x8x128xf32, #tpu.memory_space<hbm>>
    %dma_wait3A_52 = arith.constant 49 : i32
    %dma_wait3A_53 = arith.constant 0 : i32
    %dma_wait3A_54 = arith.constant 0 : i32
    %dma_wait3A_55 = arith.constant 0 : i32
    %dma_wait3A_56 = tpu.memref_slice %arg4[%dma_wait3A_52, %dma_wait3A_53, %add3A_39, %dma_wait3A_54, %dma_wait3A_55] : memref<50x8x128x8x128xf32, #tpu.memory_space<hbm>> -> memref<1x8x2x8x128xf32, #tpu.memory_space<hbm>>
    %dma_wait3A_57 = arith.constant 0 : i32
    %dma_wait3A_58 = arith.constant 0 : i32
    %dma_wait3A_59 = arith.constant 0 : i32
    %dma_wait3A_60 = arith.constant 0 : i32
    %dma_wait3A_61 = arith.constant 0 : i32
    %dma_wait3A_62 = tpu.memref_slice %arg8[%dma_wait3A, %dma_wait3A_57, %dma_wait3A_58, %dma_wait3A_59, %dma_wait3A_60, %dma_wait3A_61] : memref<2x1x8x2x8x128xf32, #tpu.memory_space<vmem>> -> memref<1x1x8x2x8x128xf32, #tpu.memory_space<vmem>>
    %dma_wait3A_63 = tpu.memref_squeeze %dma_wait3A_62 : memref<1x1x8x2x8x128xf32, #tpu.memory_space<vmem>> -> memref<1x8x2x8x128xf32, #tpu.memory_space<vmem>>
    tpu.wait_dma2 semaphore(%arg11 : memref<!tpu.dma_semaphore, #tpu.memory_space<semaphore_mem>>) src(%dma_wait3A_63 : memref<1x8x2x8x128xf32, #tpu.memory_space<vmem>>) dst(%dma_wait3A_56 : memref<1x8x2x8x128xf32, #tpu.memory_space<hbm>>)
    %add3A_64 = arith.constant 2 : i32
    %add3A_65 = arith.addi %select_n3A, %add3A_64 : i32
    %dma_wait3A_66 = arith.constant 1 : i32
    %dma_wait3A_67 = arith.constant 0 : i32
    %dma_wait3A_68 = arith.constant 0 : i32
    %dma_wait3A_69 = arith.constant 0 : i32
    %dma_wait3A_70 = arith.constant 0 : i32
    %dma_wait3A_71 = arith.constant 0 : i32
    %dma_wait3A_72 = tpu.memref_slice %arg8[%dma_wait3A_66, %dma_wait3A_67, %dma_wait3A_68, %dma_wait3A_69, %dma_wait3A_70, %dma_wait3A_71] : memref<2x1x8x2x8x128xf32, #tpu.memory_space<vmem>> -> memref<1x1x8x2x8x128xf32, #tpu.memory_space<vmem>>
    %dma_wait3A_73 = tpu.memref_squeeze %dma_wait3A_72 : memref<1x1x8x2x8x128xf32, #tpu.memory_space<vmem>> -> memref<1x8x2x8x128xf32, #tpu.memory_space<vmem>>
    %dma_wait3A_74 = arith.constant 49 : i32
    %dma_wait3A_75 = arith.constant 0 : i32
    %dma_wait3A_76 = arith.constant 0 : i32
    %dma_wait3A_77 = arith.constant 0 : i32
    %dma_wait3A_78 = tpu.memref_slice %arg4[%dma_wait3A_74, %dma_wait3A_75, %add3A_65, %dma_wait3A_76, %dma_wait3A_77] : memref<50x8x128x8x128xf32, #tpu.memory_space<hbm>> -> memref<1x8x2x8x128xf32, #tpu.memory_space<hbm>>
    %dma_wait3A_79 = arith.constant 49 : i32
    %dma_wait3A_80 = arith.constant 0 : i32
    %dma_wait3A_81 = arith.constant 0 : i32
    %dma_wait3A_82 = arith.constant 0 : i32
    %dma_wait3A_83 = tpu.memref_slice %arg4[%dma_wait3A_79, %dma_wait3A_80, %add3A_65, %dma_wait3A_81, %dma_wait3A_82] : memref<50x8x128x8x128xf32, #tpu.memory_space<hbm>> -> memref<1x8x2x8x128xf32, #tpu.memory_space<hbm>>
    %dma_wait3A_84 = arith.constant 0 : i32
    %dma_wait3A_85 = arith.constant 0 : i32
    %dma_wait3A_86 = arith.constant 0 : i32
    %dma_wait3A_87 = arith.constant 0 : i32
    %dma_wait3A_88 = arith.constant 0 : i32
    %dma_wait3A_89 = tpu.memref_slice %arg8[%dma_wait3A_66, %dma_wait3A_84, %dma_wait3A_85, %dma_wait3A_86, %dma_wait3A_87, %dma_wait3A_88] : memref<2x1x8x2x8x128xf32, #tpu.memory_space<vmem>> -> memref<1x1x8x2x8x128xf32, #tpu.memory_space<vmem>>
    %dma_wait3A_90 = tpu.memref_squeeze %dma_wait3A_89 : memref<1x1x8x2x8x128xf32, #tpu.memory_space<vmem>> -> memref<1x8x2x8x128xf32, #tpu.memory_space<vmem>>
    tpu.wait_dma2 semaphore(%arg12 : memref<!tpu.dma_semaphore, #tpu.memory_space<semaphore_mem>>) src(%dma_wait3A_90 : memref<1x8x2x8x128xf32, #tpu.memory_space<vmem>>) dst(%dma_wait3A_83 : memref<1x8x2x8x128xf32, #tpu.memory_space<hbm>>)
    return
  }
}

</mosaic_0001>

<sc_bundles>
// kernel: kernel.3.cloned.1.call-start
scs
__scs_entry_jumppad:
0x0: {  	(pc) =	sbr.rel $0x88, $3  }
0x1: {  	(tag) =	ssettag $0x0;
	lr =	simm.s32 $0x1  }
0x2: {  	[smem:$0x3F9F] =	sst lr;
	_ =	strace $0xD0000000  }
0x3: {  	_ = 	snop  }
0x4: {  	_ = 	snop  }
0x5: {  	_ = 	snop  }
0x6: {  	_ = 	snop  }
0x7: {  	_ = 	snop  }
__scs_overlays_trampoline_lowered:
0x8: {  	[smem:$0x3FAE] =	sst s0  }
0x9: {  	[smem:$0x3FAF] =	sst s1  }
0xa: {  	[smem:$0x3FB0] =	sst s2  }
0xb: {  	[smem:$0x3FB1] =	sst s3  }
0xc: {  	[smem:$0x3FB2] =	sst s4  }
0xd: {  	[smem:$0x3FB3] =	sst s5  }
0xe: {  	[smem:$0x3FB4] =	sst s6  }
0xf: {  	[smem:$0x3FB5] =	sst s7  }
0x10: {  	[smem:$0x3FB6] =	sst s8  }
0x11: {  	[smem:$0x3FB7] =	sst s9;
	s0 =	simm.s32 @!p0 $0x0  }
0x12: {  	s1 =	sld [smem:$0x3F9D];
	s0 =	simm.s32 @p0 $0x1  }
0x13: {  	[smem:$0x3FB8] =	sst s0;
	s0 =	simm.s32 @!p1 $0x0  }
0x14: {  	s2 =	sld [smem:$0x3F9C];
	s0 =	simm.s32 @p1 $0x1  }
0x15: {  	[smem:$0x3FB9] =	sst s0;
	s0 =	simm.s32 @!p2 $0x0  }
0x16: {  	s3 =	sld [smem:$0x3FDB];
	s0 =	simm.s32 @p2 $0x1  }
0x17: {  	s4 =	simm.s32 $0x1BF5;
	[smem:$0x3FBB] =	sst s0  }
0x18: {  	s0 =	sld [smem:$0x3F9E];
	_ =	swait.ge [sflag:s4], $0x0  }
0x19: {  	s7 =	sld [smem:$0x3F9F]  }
0x1a: {  	s8 =	sadd.s32 $0xFFFFE003, lr  }
0x1b: {  	s9 =	sadd.s32 $0xFFFFFEF7, lr;
	s5 =	simm.s32 $0xFFFFFFFF;
	p2 =	slt.u32 s8, $0xFFFFF086  }
0x1c: {  	p1 =	slt.u32 s9, $0xF7A;
	s5 =	simm.s32 @!p2 $0x0  }
0x1d: {  	s5 =	simm.s32 @p1 $0x1;
	p0 =	seq.s32 s7, s2  }
0x1e: {  	s7 =	smul.u32 @!p0 $0xF7A, s2;
	p2 =	seq.s32 @!p0 s5, $0x0  }
0x1f: {  	s9 =	smul.u32 $0xF7A, s1;
	s8 =	simm.s32 @!p0 $0x1BF5;
	p2 =	por !p2, p0  }
0x20: {  	[sflag:s8] =	ssyncset.s32 @!p0 $0xFFFFF086;
	s6 =	sadd.s32 @!p0 s3, s7;
	s7 =	simm.s32 @!p0 $0x108  }
0x21: {  	s3 =	sadd.s32 s3, s9;
	s6 =	sadd.s32 @!p0 $0x88, s6;
	s7 =	simm.s32 @p2 $0x1082  }
0x22: {  	[simem:s7], [sflag:s8] =	dma.local @!p0 [hbm:s6], $0xF7A  }
0x23: {  	s9 =	sor.u32 $0xD0000000, s2;
	s6 =	simm.s32 $0x108;
	_ =	swait.ge @!p0 [sflag:s8], $0x0  }
0x24: {  	s3 =	sadd.s32 $0x88, s3;
	s6 =	simm.s32 @!p1 $0x1082;
	[sflag:s4] =	ssyncset.s32 $0xFFFFF086  }
0x25: {  	[simem:s6], [sflag:s4] =	dma.local [hbm:s3], $0xF7A  }
0x26: {  	[smem:$0x3F9F] =	sst s1;
	(tag) =	ssettag s2;
	_ =	strace s9  }
0x27: {  	s1 =	sld [smem:$0x3FAF]  }
0x28: {  	s2 =	sld [smem:$0x3FB0]  }
0x29: {  	s4 =	sld [smem:$0x3FB2]  }
0x2a: {  	p0 =	seq.s32 s5, $0x0;
	s5 =	sld [smem:$0x3FB3]  }
0x2b: {  	s6 =	sld [smem:$0x3FB4]  }
0x2c: {  	s7 =	sld [smem:$0x3FB5]  }
0x2d: {  	s3 =	simm.s32 $0x108;
	s8 =	sld [smem:$0x3FB6]  }
0x2e: {  	s3 =	simm.s32 @!p0 $0x1082;
	s9 =	sld [smem:$0x3FB7]  }
0x2f: {  	lr =	sadd.s32 s0, s3;
	s0 =	sld [smem:$0x3FAE]  }
0x30: {  	s3 =	sld [smem:$0x3FB1]  }
0x31: {  	[smem:$0x3FBA] =	sst s10  }
0x32: {  	s10 =	sld [smem:$0x3FB8];
	_ =	sdelay $0x3  }
0x33: {  	p0 =	seq.s32 s10, $0x1;
	s10 =	sld [smem:$0x3FBA];
	_ =	sdelay $0x3  }
0x34: {  	[smem:$0x3FBA] =	sst s10  }
0x35: {  	s10 =	sld [smem:$0x3FB9];
	_ =	sdelay $0x3  }
0x36: {  	p1 =	seq.s32 s10, $0x1;
	s10 =	sld [smem:$0x3FBA];
	_ =	sdelay $0x3  }
0x37: {  	[smem:$0x3FBA] =	sst s10  }
0x38: {  	s10 =	sld [smem:$0x3FBB]  }
0x39: {  	_ = 	snop;
	(pc) =	sbr.ind lr, $3  }
0x3a: {  	_ = 	snop  }
0x3b: {  	_ = 	snop  }
0x3c: {  	p2 =	seq.s32 s10, $0x1;
	s10 =	sld [smem:$0x3FBA]  }
0x3d: {  	_ =	shalt  }
0x3e: {  	_ =	shalt  }
0x3f: {  	_ =	shalt  }
0x40: {  	_ =	shalt  }
0x41: {  	_ =	shalt  }
0x42: {  	_ =	shalt  }
0x43: {  	_ =	shalt  }
0x44: {  	_ =	shalt  }
0x45: {  	_ =	shalt  }
0x46: {  	_ =	shalt  }
0x47: {  	_ =	shalt  }
0x48: {  	_ =	shalt  }
0x49: {  	_ =	shalt  }
0x4a: {  	_ =	shalt  }
0x4b: {  	_ =	shalt  }
0x4c: {  	_ =	shalt  }
0x4d: {  	_ =	shalt  }
0x4e: {  	_ =	shalt  }
0x4f: {  	_ =	shalt  }
0x50: {  	_ =	shalt  }
0x51: {  	_ =	shalt  }
0x52: {  	_ =	shalt  }
0x53: {  	_ =	shalt  }
0x54: {  	_ =	shalt  }
0x55: {  	_ =	shalt  }
0x56: {  	_ =	shalt  }
0x57: {  	_ =	shalt  }
0x58: {  	_ =	shalt  }
0x59: {  	_ =	shalt  }
0x5a: {  	_ =	shalt  }
0x5b: {  	_ =	shalt  }
0x5c: {  	_ =	shalt  }
0x5d: {  	_ =	shalt  }
0x5e: {  	_ =	shalt  }
0x5f: {  	_ =	shalt  }
0x60: {  	_ =	shalt  }
0x61: {  	_ =	shalt  }
0x62: {  	_ =	shalt  }
0x63: {  	_ =	shalt  }
0x64: {  	_ =	shalt  }
0x65: {  	_ =	shalt  }
0x66: {  	_ =	shalt  }
0x67: {  	_ =	shalt  }
0x68: {  	_ =	shalt  }
0x69: {  	_ =	shalt  }
0x6a: {  	_ =	shalt  }
0x6b: {  	_ =	shalt  }
0x6c: {  	_ =	shalt  }
0x6d: {  	_ =	shalt  }
0x6e: {  	_ =	shalt  }
0x6f: {  	_ =	shalt  }
0x70: {  	_ =	shalt  }
0x71: {  	_ =	shalt  }
0x72: {  	_ =	shalt  }
0x73: {  	_ =	shalt  }
0x74: {  	_ =	shalt  }
0x75: {  	_ =	shalt  }
0x76: {  	_ =	shalt  }
0x77: {  	_ =	shalt  }
0x78: {  	_ =	shalt  }
0x79: {  	_ =	shalt  }
0x7a: {  	_ =	shalt  }
0x7b: {  	_ =	shalt  }
0x7c: {  	_ =	shalt  }
0x7d: {  	_ =	shalt  }
0x7e: {  	_ =	shalt  }
0x7f: {  	_ =	shalt  }
0x80: {  	_ =	shalt  }
0x81: {  	_ =	shalt  }
0x82: {  	_ =	shalt  }
0x83: {  	_ =	shalt  }
0x84: {  	_ =	shalt  }
0x85: {  	_ =	shalt  }
0x86: {  	_ =	shalt  }
0x87: {  	_ =	shalt  }
.Lfunc_end0:
.L_simem_size_0:
called_computation.1_lowered:
.L_overlay_start_0:
0x88: {  	s2 =	sld [smem:$0x3FD9]  }
0x89: {  	s3 =	sld [smem:$0x3FFE];
	_ =	sdelay $0x1  }
0x8a: {  	s1 =	srdreg.scid  }
0x8b: {  	s0 =	sand.u32 $0x1, s1  }
0x8c: {  	s17 =	sshll.u32 s0, $0xA;
	s2 =	sadd.s32 s3, s2  }
0x8d: {  	s2 =	sadd.s32 s2, s17  }
0x8e: {  	[smem:$0x3FC6] =	sst s2  }
0x8f: {  	_ = 	snop  }
0x90: {  	s2 =	sld [smem:$0x3FD0];
	(tm) =	ssettm $0x1  }
0x91: {  	s18 =	sld [smem:$0x3FFB];
	_ =	sdelay $0x3  }
0x92: {  	_ =	strace s18  }
0x93: {  	s3 =	sld [smem:$0x3FFC];
	_ =	sdelay $0x3  }
0x94: {  	_ =	strace s3  }
0x95: {  	s3 =	sld [smem:$0x3FFD];
	_ =	sdelay $0x3  }
0x96: {  	_ =	strace s3  }
0x97: {  	_ =	strace $0x8FFFFFFF  }
0x98: {  	s19 =	sld [smem:$0x3FDB];
	_ =	sdelay $0x1  }
0x99: {  	s4 =	simm.s32 $_scs_section_size  }
0x9a: {  	s5 =	simm.s32 $_size__tile_overlayer_lowered;
	s6 =	simm.s32 $_tile_overlayer_lowered  }
0x9b: {  	s22 =	simm.s32 $0x1BFF;
	s21 =	sshll.u32 s6, $0x1;
	s3 =	sadd.s32 s4, s19  }
0x9c: {  	s7 =	simm.s32 $0x0;
	s20 =	sshll.u32 s5, $0x1;
	s5 =	sadd.s32 s21, s3  }
0x9d: {  	[timem:s7], [sflag:s22] =	dma.local [hbm:s5], s20  }
0x9e: {  	_ =	swait.ge [sflag:s22], s20  }
0x9f: {  	s4 =	ssub.s32 $0x0, s20;
	[sflag:s22] =	ssyncset.done $0x0  }
0xa0: {  	[sflag:s22] =	ssyncadd.s32 s4;
	_ =	sdelay $0x1  }
0xa1: {  	s23 =	simm.s32 $0x1B8B  }
0xa2: {  	_ =	swait.ge [sflag:s23], $0x1  }
0xa3: {  	[sflag:s23] =	ssyncset.done $0x0  }
0xa4: {  	s25 =	simm.s32 $0x1B8E;
	s24 =	sld [smem:$0x3FFE];
	[sflag:s23] =	ssyncadd.s32 $0xFFFFFFFF  }
0xa5: {  	s26 =	simm.s32 $execute0_lowered;
	[smem:$0x3FD2] =	sst s25  }
0xa6: {  	s5 =	sshll.u32 s26, $0x1;
	_ =	strace $0x80000049;
	[dreg:$0x1] =	wrdreg $0xFFFFFFFF  }
0xa7: {  	s28 =	simm.s32 $_size_execute0_lowered;
	s3 =	sadd.s32 s3, s5;
	[dreg:$0x0] =	wrdreg $0x0  }
0xa8: {  	s5 =	sshll.u32 s28, $0x1;
	[dreg:$0x2] =	wrdreg s3  }
0xa9: {  	[dreg:$0x3] =	wrdreg s5  }
0xaa: {  	[dreg:$0x4] =	wrdreg $0xC0  }
0xab: {  	_ =	task [dreg:s7], $0x5FFFF  }
0xac: {  	[dreg:$0x1] =	wrdreg $0xFFFFFFFF  }
0xad: {  	[dreg:$0x0] =	wrdreg $0x60  }
0xae: {  	[dreg:$0x2] =	wrdreg s24  }
0xaf: {  	[dreg:$0x3] =	wrdreg s2  }
0xb0: {  	[dreg:$0x4] =	wrdreg $0x9  }
0xb1: {  	_ =	task.clear_ibuf [dreg:s7], $0x5FFFF;
	_ =	strace $0x90000049  }
0xb2: {  	s29 =	simm.s32 $0x9;
	_ =	strace $0x8000004B  }
0xb3: {  	_ =	swait.ge [sflag:s29], $0x1  }
0xb4: {  	[sflag:s29] =	ssyncadd.s32 $0xFFFFFFFF  }
0xb5: {  	_ =	strace $0x9000004B  }
0xb6: {  	_ =	sfence  }
0xb7: {  	s30 =	sld [smem:$0x0];
	_ =	sdelay $0x2  }
0xb8: {  	s31 =	sshll.u32 s1, $0xD;
	s1 =	sshrl.u32 s1, $0x2  }
0xb9: {  	s3 =	sand.u32 $0x4000, s31;
	s1 =	sadd.s32 s1, s30  }
0xba: {  	s0 =	sor.u32 s3, s0;
	s1 =	sshll.u32 s1, $0x11  }
0xbb: {  	s0 =	sor.u32 s1, s0  }
0xbc: {  	s0 =	sadd.s32 $0x8F2B, s0  }
0xbd: {  	[sflag:s0] =	ssyncadd.remote.s32 $0x1  }
0xbe: {  	_ =	sfence.sel $0xFFFF  }
0xbf: {  	[dreg:$0x0] =	wrdreg $0xFFFFFFFF;
	(pc) =	sbr.abs _section_cstart, $3  }
0xc0: {  	[dreg:$0x1] =	wrdreg $0xFFFFFFFF  }
0xc1: {  	_ =	task.clear_ibuf [dreg:s7], $0x2FFFF;
	_ =	strace $0x9FFFFFFF  }
0xc2: {  	(tm) =	ssettm $0x7FFFFFFF  }
0xc3: {  	_ =	shalt  }
tec
execute0_lowered:
.L_overlay_start_1:
0x0: {  	(tag) =	ssettag $0x1  }
0x1: {  	s0 =	rddreg [dreg:$0x0]  }
0x2: {  	s2 =	rddreg [dreg:$0x1]  }
0x3: {  	s1 =	srdreg.scid;
	s3 =	stileid.u32;
	s6 =	simm.s32 $0x0  }
0x4: {  	s9 =	simm.s32 $0x200;
	s11 =	simm.s32 $0x5;
	s12 =	simm.s32 $0x6400  }
0x5: {  	s13 =	simm.s32 $0x6800;
	s14 =	simm.s32 $0x6600;
	s15 =	simm.s32 $0xE800  }
0x6: {  	s16 =	simm.s32 $0x1;
	s17 =	simm.s32 $0x16800;
	s18 =	simm.s32 $0x800  }
0x7: {  	s19 =	simm.s32 $0x20000;
	s20 =	simm.s32 $0x1A800;
	s21 =	simm.s32 $0x2  }
0x8: {  	s22 =	simm.s32 $0x3;
	s23 =	simm.s32 $0x4;
	s1 =	sand.u32 $0x1, s1  }
0x9: {  	s24 =	simm.s32 $0x0;
	s4 =	sshll.u32 s3, $0xA;
	s5 =	sshll.u32 s1, $0x9  }
0xa: {  	[smem:$0x7FF] =	sst s6;
	s1 =	ssub.s32 $0x2, s1;
	s7 =	sor.u32 s5, s4  }
0xb: {  	v0 =	vlaneseq.u32;
	_ =	strace $0x8000004A;
	s30 =	sshrl.u32 s1, $0x1;
	s5 =	sshrl.u32 s7, $0x3  }
0xc: {  	v5 =	vmul.u32 $0x40, v0;
	s4 =	sadd.s32 $0xF5BE00, s0;
	s1 =	ssub.s32 s1, s30;
	s0 =	sadd.s32 s5, s0  }
0xd: {  	v1 =	vor.u32 $0x78, v0;
	v3 =	vor.u32 $0x400, v0;
	s6 =	sadd.s32 s2, s7;
	s31 =	sshll.u32 s7, $0x3;
	s0 =	sadd.s32 $0xF42E00, s0  }
0xe: {  	v2 =	vor.u32 $0x2000, v5;
	v4 =	vor.u32 $0x4000, v5;
	v5 =	vor.u32 $0x6000, v5;
	s7 =	sor.u32 $0x800, s31;
	s8 =	smax.u32 s1, $0x1;
	[dreg:$0x3] =	wrdreg s0  }
.LBB2_1:
0xf: {  	s0 =	simm.s32 $0x0;
	s1 =	rddreg [dreg:$0x3];
	s3 =	simm.s32 $0x4000  }
0x10: {  	[tilespmem:s0], [sflag:$0x5] =	stream.strided.gather [hbm4b:s1+s9], $0x6400, s3, s9, $0x38;
	[tilespmem:$0x1E800] =	vst v63  }
0x11: {  	_ =	swait.ge [sflag:s11], $0x6400  }
0x12: {  	[sflag:s11] =	ssyncset.done $0x0  }
0x13: {  	s0 =	simm.s32 $0x0;
	[sflag:s11] =	ssyncadd.s32 $0xFFFF9C00  }
0x14: {  	s1 =	simm.s32 $0x40;
	v6 =	vld [tilespmem:s0+$0x0]  }
.LBB2_2:
0x15: {  	p0 =	sne.s32 s1, $0x7C0  }
.Ltmp0:
0x16: {  	_ = 	snop;
	(pc) =	sbr.rel @p0 .LBB2_2-.Ltmp0, $3  }
0x17: {  	_ =	sdelay $0x1  }
0x18: {  	s25 =	sshra.s32 s1, $0x2;
	s1 =	sadd.s32 $0x40, s1;
	v7 =	vshll.u32 v6, $0x1  }
0x19: {  	v6 =	vld [tilespmem:s25+$0x0];
	[tilespmem:s0+$0x6400] =	vst v7;
	s0 =	smov.u32 s25  }
0x1a: {  	_ =	sdelay $0x3  }
0x1b: {  	v6 =	vshll.u32 v6, $0x1  }
0x1c: {  	s25 =	simm.s32 $0x200;
	s26 =	simm.s32 $0x0;
	s28 =	simm.s32 $0x400;
	[tilespmem:s0+$0x6400] =	vst v6  }
0x1d: {  	[tilespmem:s13], [sflag:$0x1] =	stream.indirect.gather [hbm4b:s4+s25], $0x40, s12, s25, $0xb8;
	[tilespmem:$0x1E800] =	vst v63  }
.LBB2_4:
0x1e: {  	v6 =	vmov s25;
	_ =	sdelay $0x3  }
0x1f: {  	s0 =	simm.s32 $0x0  }
0x20: {  	s29 =	sshllo.u32 s26, $0x1;
	s1 =	simm.s32 $0x40;
	v7 =	vld.idx.msk [tilespmem:v6+s0+$0x0 ss:$0x1], $0xffff  }
.LBB2_5:
0x21: {  	p0 =	sne.s32 s1, $0x7C0  }
.Ltmp1:
0x22: {  	_ = 	snop;
	(pc) =	sbr.rel @p0 .LBB2_5-.Ltmp1, $4  }
0x23: {  	_ = 	snop  }
0x24: {  	s30 =	sshra.s32 s1, $0x2;
	s1 =	sadd.s32 $0x40, s1  }
0x25: {  	v8 =	vshll.u32 v7, $0x1;
	v7 =	vld.idx.msk [tilespmem:v6+s30+$0x0 ss:$0x1], $0xffff  }
0x26: {  	[tilespmem:s0+$0x6600] =	vst v8;
	s0 =	smov.u32 s30  }
0x27: {  	_ =	sdelay $0x1  }
0x28: {  	s1 =	simm.s32 $0x0;
	s30 =	simm.s32 $0x0  }
0x29: {  	s31 =	simm.s32 $0x0;
	s1 =	sand.u32 $0x3E, s1;
	s30 =	sand.u32 $0x70, s30;
	v6 =	vshll.u32 v7, $0x1  }
0x2a: {  	s31 =	sand.u32 $0x70, s31;
	s3 =	sor.u32 $0x1, s1;
	v12 =	vor.u32 s30, v0;
	[tilespmem:s0+$0x6600] =	vst v6  }
0x2b: {  	v9 =	vadd.s32 s1, v0;
	v10 =	vadd.s32 s3, v0;
	[tilespmem:s15], [sflag:$0x2] =	stream.indirect.gather [hbm4b:s4+s9], $0x40, s14, s9, $0xb8;
	[tilespmem:$0x1E800] =	vst v63  }
0x2c: {  	v15 =	vor.u32 s31, v0;
	v8 =	vshll.u32 v12, $0x6;
	v6 =	vand.u32 $0x3F, v10;
	_ =	swait.ge [sflag:s16], $0x8000  }
0x2d: {  	p0 =	seq.s32 s26, $0x0;
	v7 =	vand.u32 $0x3F, v9;
	v11 =	vshll.u32 v9, $0x8;
	v13 =	vor.u32 v6, v8;
	[sflag:s16] =	ssyncset.done $0x0  }
0x2e: {  	s1 =	simm.s32 @!p0 $0x3;
	v9 =	vshll.u32 v9, $0x7;
	v22 =	vand.u32 v1, v12;
	s0 =	simm.s32 $0x2;
	v14 =	vor.u32 v7, v8;
	[sflag:s16] =	ssyncadd.s32 $0xFFFF8000  }
0x2f: {  	v16 =	vshll.u32 v10, $0x7;
	v8 =	vand.u32 $0x3800, v11;
	s10 =	sand.u32 $0x3E, s0;
	v11 =	vshll.u32 v10, $0x8;
	_ =	swait.ge @!p0 [sflag:s1], $0x4000  }
0x30: {  	v19 =	vshll.u32 v15, $0x6;
	s5 =	sor.u32 $0x1, s10;
	v10 =	vand.u32 $0x3800, v11;
	v11 =	vand.u32 $0x380, v16;
	[sflag:s1] =	ssyncset.done @!p0 $0x0  }
0x31: {  	v9 =	vand.u32 $0x380, v9;
	v17 =	vadd.s32 s5, v0;
	v16 =	vor.u32 v10, v11;
	[sflag:s1] =	ssyncadd.s32 @!p0 $0xFFFFC000  }
0x32: {  	v21 =	vor.u32 v8, v9;
	v16 =	vor.u32 v22, v16;
	v12 =	vld.idx.msk [tilespmem:v13+s13+$0x0], $0xffff;
	v13 =	vand.u32 $0x3F, v17  }
0x33: {  	v20 =	vadd.s32 s10, v0;
	v18 =	vor.u32 v13, v19;
	v13 =	vld.idx.msk [tilespmem:v14+s13+$0x0], $0xffff;
	v14 =	vor.u32 v22, v21  }
.LBB2_7:
0x34: {  	s0 =	sadd.s32 $0x2, s0;
	v21 =	vand.u32 $0x3F, v20;
	v22 =	vshll.u32 v20, $0x8;
	v20 =	vshll.u32 v20, $0x7  }
0x35: {  	s1 =	sshrl.u32 s0, $0x2;
	p1 =	slt.u32 s0, $0x1FE;
	v21 =	vor.u32 v21, v19;
	v19 =	vand.u32 $0x3800, v22;
	v20 =	vand.u32 $0x380, v20  }
.Ltmp2:
0x36: {  	s10 =	sand.u32 $0x3E, s0;
	s1 =	sand.u32 $0x70, s1;
	v22 =	vor.u32 v19, v20;
	v19 =	vshll.u32 v17, $0x8;
	v17 =	vshll.u32 v17, $0x7;
	(pc) =	sbr.rel @p1 .LBB2_7-.Ltmp2, $4  }
0x37: {  	v20 =	vor.u32 s1, v0;
	s1 =	sor.u32 $0x1, s10;
	v19 =	vand.u32 $0x3800, v19;
	v23 =	vand.u32 $0x380, v17;
	[tilespmem:v16+s17+$0x0] =	vst.idx.msk $0xffff, v12  }
0x38: {  	v24 =	vand.u32 v1, v15;
	v17 =	vadd.s32 s1, v0;
	v12 =	vld.idx.msk [tilespmem:v18+s13+$0x0], $0xffff;
	v16 =	vor.u32 v19, v23;
	v15 =	vmovc v20  }
0x39: {  	v19 =	vshll.u32 v15, $0x6;
	v18 =	vand.u32 $0x3F, v17;
	v16 =	vor.u32 v24, v16;
	[tilespmem:v14+s17+$0x0] =	vst.idx.msk $0xffff, v13  }
0x3a: {  	v20 =	vadd.s32 s10, v0;
	v14 =	vor.u32 v24, v22;
	v18 =	vor.u32 v18, v19;
	v13 =	vld.idx.msk [tilespmem:v21+s13+$0x0], $0xffff  }
0x3b: {  	v21 =	vand.u32 $0x3F, v20  }
0x3c: {  	v22 =	vshll.u32 v20, $0x8;
	v58 =	vshll.u32 v20, $0x7;
	v19 =	vor.u32 v21, v19  }
0x3d: {  	v60 =	vshll.u32 v17, $0x8;
	v17 =	vshll.u32 v17, $0x7;
	v15 =	vand.u32 v1, v15  }
0x3e: {  	v59 =	vand.u32 $0x3800, v22;
	v22 =	vand.u32 $0x3800, v60;
	v17 =	vand.u32 $0x380, v17  }
0x3f: {  	v61 =	vmov s30;
	v20 =	vand.u32 $0x380, v58;
	v17 =	vor.u32 v22, v17  }
0x40: {  	v18 =	vld.idx.msk [tilespmem:v18+s13+$0x0], $0xffff;
	v62 =	vshll.u32 v61, $0x6;
	v20 =	vor.u32 v59, v20;
	v17 =	vor.u32 v15, v17  }
0x41: {  	v63 =	vor.u32 v2, v62;
	v15 =	vor.u32 v15, v20;
	v19 =	vld.idx.msk [tilespmem:v19+s13+$0x0], $0xffff  }
0x42: {  	v21 =	vor.u32 v6, v63  }
0x43: {  	s0 =	simm.s32 $0x2;
	s1 =	simm.s32 $0x0;
	[tilespmem:v16+s17+$0x0] =	vst.idx.msk $0xffff, v12;
	v16 =	vor.u32 v7, v63  }
0x44: {  	s10 =	sand.u32 $0x3E, s0;
	s1 =	sand.u32 $0x70, s1;
	[tilespmem:v14+s17+$0x0] =	vst.idx.msk $0xffff, v13  }
0x45: {  	s31 =	sor.u32 $0x1, s10;
	v12 =	vor.u32 s30, v3;
	v6 =	vor.u32 v9, v8;
	v7 =	vmov s1;
	[tilespmem:v17+s17+$0x0] =	vst.idx.msk $0xffff, v18  }
0x46: {  	v8 =	vor.u32 v11, v10;
	v11 =	vadd.s32 s31, v0;
	v7 =	vshll.u32 v7, $0x6;
	[tilespmem:v15+s17+$0x0] =	vst.idx.msk $0xffff, v19  }
0x47: {  	v9 =	vor.u32 v12, v8;
	v8 =	vand.u32 $0x3F, v11;
	v10 =	vor.u32 v2, v7;
	v7 =	vld.idx.msk [tilespmem:v21+s13+$0x0], $0xffff  }
0x48: {  	v13 =	vor.u32 v8, v10;
	v15 =	vadd.s32 s10, v0;
	v8 =	vld.idx.msk [tilespmem:v16+s13+$0x0], $0xffff  }
0x49: {  	v14 =	vand.u32 $0x3F, v15;
	v17 =	vshll.u32 v15, $0x8  }
0x4a: {  	v15 =	vshll.u32 v15, $0x7;
	v10 =	vor.u32 v14, v10;
	v14 =	vand.u32 $0x3800, v17  }
.LBB2_9:
0x4b: {  	s0 =	sadd.s32 $0x2, s0;
	v15 =	vand.u32 $0x380, v15;
	v16 =	vor.u32 v12, v6  }
0x4c: {  	v12 =	vshll.u32 v11, $0x8;
	v11 =	vshll.u32 v11, $0x7;
	s10 =	sshrl.u32 s0, $0x2;
	p1 =	slt.u32 s0, $0x1FE;
	v6 =	vor.u32 v15, v14;
	[tilespmem:v9+s17+$0x0] =	vst.idx.msk $0xffff, v7  }
0x4d: {  	s30 =	sand.u32 $0x3E, s0;
	v9 =	vand.u32 $0x3800, v12;
	v11 =	vand.u32 $0x380, v11;
	v14 =	vmov v8;
	s10 =	sand.u32 $0x70, s10  }
.Ltmp3:
0x4e: {  	v12 =	vor.u32 s1, v3;
	s31 =	sor.u32 $0x1, s30;
	v9 =	vor.u32 v11, v9;
	v8 =	vmov s10;
	v7 =	vld.idx.msk [tilespmem:v13+s13+$0x0], $0xffff;
	s1 =	smov.u32 s10;
	(pc) =	sbr.rel @p1 .LBB2_9-.Ltmp3, $4  }
0x4f: {  	v11 =	vadd.s32 s31, v0;
	v9 =	vor.u32 v12, v9;
	v13 =	vshll.u32 v8, $0x6;
	v8 =	vld.idx.msk [tilespmem:v10+s13+$0x0], $0xffff  }
0x50: {  	v15 =	vadd.s32 s30, v0;
	v10 =	vor.u32 v2, v13;
	v13 =	vand.u32 $0x3F, v11;
	[tilespmem:v16+s17+$0x0] =	vst.idx.msk $0xffff, v14  }
0x51: {  	v14 =	vand.u32 $0x3F, v15;
	v16 =	vshll.u32 v15, $0x8;
	v13 =	vor.u32 v13, v10  }
0x52: {  	v15 =	vshll.u32 v15, $0x7;
	v10 =	vor.u32 v14, v10;
	v14 =	vand.u32 $0x3800, v16  }
0x53: {  	_ = 	snop  }
0x54: {  	v16 =	vshll.u32 v11, $0x8;
	v11 =	vshll.u32 v11, $0x7  }
0x55: {  	v15 =	vand.u32 $0x380, v15;
	v16 =	vand.u32 $0x3800, v16;
	v11 =	vand.u32 $0x380, v11  }
0x56: {  	v6 =	vor.u32 v12, v6;
	v12 =	vor.u32 s1, v3;
	v11 =	vor.u32 v11, v16  }
0x57: {  	v13 =	vld.idx.msk [tilespmem:v13+s13+$0x0], $0xffff;
	v14 =	vor.u32 v15, v14;
	v11 =	vor.u32 v12, v11  }
0x58: {  	v10 =	vld.idx.msk [tilespmem:v10+s13+$0x0], $0xffff;
	s0 =	simm.s32 $0x0;
	s3 =	simm.s32 $0x0;
	v12 =	vor.u32 v12, v14  }
0x59: {  	s0 =	sand.u32 $0x3E, s0;
	s31 =	sand.u32 $0x70, s3  }
0x5a: {  	[tilespmem:v9+s17+$0x0] =	vst.idx.msk $0xffff, v7;
	v7 =	vmov s31;
	s5 =	sor.u32 $0x1, s0  }
0x5b: {  	v14 =	vadd.s32 s5, v0;
	[tilespmem:v6+s17+$0x0] =	vst.idx.msk $0xffff, v8;
	v6 =	vshll.u32 v7, $0x6  }
0x5c: {  	s10 =	sshll.u32 s26, $0x12;
	v8 =	vand.u32 $0x3F, v14;
	v9 =	vor.u32 v4, v6;
	[tilespmem:v11+s17+$0x0] =	vst.idx.msk $0xffff, v13;
	v11 =	vadd.s32 s0, v0  }
0x5d: {  	s3 =	sadd.s32 s10, s6;
	s10 =	simm.s32 @!p0 $0x4;
	v17 =	vor.u32 s31, v0;
	s5 =	simm.s32 $0x0;
	v15 =	vor.u32 v8, v9;
	[tilespmem:v12+s17+$0x0] =	vst.idx.msk $0xffff, v10;
	v7 =	vand.u32 $0x3F, v11  }
0x5e: {  	v12 =	vshll.u32 v14, $0x7;
	v10 =	vshll.u32 v11, $0x8;
	[hbm4b:s3+s18] =	stream.strided.scatter [tilespmem:s17], [sflag:$0x3], $0x4000, s19, s18, $0x38;
	v18 =	vor.u32 v7, v9;
	[tilespmem:$0x1E800] =	vst v63  }
0x5f: {  	s1 =	sand.u32 $0x70, s5;
	s0 =	simm.s32 $0x2;
	v9 =	vand.u32 $0x3800, v10;
	v10 =	vshll.u32 v11, $0x7;
	v11 =	vshll.u32 v14, $0x8;
	_ =	swait.ge @!p0 [sflag:s10], $0x4000  }
0x60: {  	s30 =	sand.u32 $0x3E, s0;
	v12 =	vand.u32 $0x380, v12;
	v14 =	vmov s1;
	v11 =	vand.u32 $0x3800, v11;
	[sflag:s10] =	ssyncset.done @!p0 $0x0  }
0x61: {  	s3 =	sor.u32 $0x1, s30;
	v22 =	vadd.s32 s30, v0;
	v14 =	vshll.u32 v14, $0x6;
	v16 =	vor.u32 v11, v12;
	[sflag:s10] =	ssyncadd.s32 @!p0 $0xFFFFC000  }
0x62: {  	v19 =	vadd.s32 s3, v0;
	v21 =	vor.u32 v4, v14;
	v16 =	vor.u32 v17, v16;
	v14 =	vld.idx.msk [tilespmem:v15+s13+$0x0], $0xffff  }
0x63: {  	v10 =	vand.u32 $0x380, v10;
	v23 =	vand.u32 $0x3F, v22;
	v20 =	vand.u32 $0x3F, v19;
	v15 =	vld.idx.msk [tilespmem:v18+s13+$0x0], $0xffff  }
0x64: {  	v24 =	vshll.u32 v22, $0x8;
	v22 =	vshll.u32 v22, $0x7;
	v20 =	vor.u32 v20, v21  }
0x65: {  	s30 =	sshll.u32 s26, $0x15;
	v13 =	vor.u32 v9, v10;
	v18 =	vor.u32 v23, v21;
	v21 =	vand.u32 $0x3800, v24  }
.LBB2_11:
0x66: {  	s0 =	sadd.s32 $0x2, s0;
	v22 =	vand.u32 $0x380, v22;
	v23 =	vor.u32 v17, v13  }
0x67: {  	v17 =	vshll.u32 v19, $0x8;
	v19 =	vshll.u32 v19, $0x7;
	s3 =	sshrl.u32 s0, $0x2;
	p0 =	slt.u32 s0, $0x1FE;
	v13 =	vor.u32 v21, v22;
	[tilespmem:v16+s20+$0x0] =	vst.idx.msk $0xffff, v14  }
0x68: {  	s10 =	sand.u32 $0x3E, s0;
	v16 =	vand.u32 $0x3800, v17;
	v19 =	vand.u32 $0x380, v19;
	v21 =	vmov v15;
	s3 =	sand.u32 $0x70, s3  }
.Ltmp4:
0x69: {  	v17 =	vor.u32 s1, v0;
	s5 =	sor.u32 $0x1, s10;
	v16 =	vor.u32 v16, v19;
	v15 =	vmov s3;
	v14 =	vld.idx.msk [tilespmem:v20+s13+$0x0], $0xffff;
	s1 =	smov.u32 s3;
	(pc) =	sbr.rel @p0 .LBB2_11-.Ltmp4, $4  }
0x6a: {  	v19 =	vadd.s32 s5, v0;
	v16 =	vor.u32 v17, v16;
	v20 =	vshll.u32 v15, $0x6;
	v15 =	vld.idx.msk [tilespmem:v18+s13+$0x0], $0xffff  }
0x6b: {  	v22 =	vadd.s32 s10, v0;
	v18 =	vor.u32 v4, v20;
	v20 =	vand.u32 $0x3F, v19;
	[tilespmem:v23+s20+$0x0] =	vst.idx.msk $0xffff, v21  }
0x6c: {  	v21 =	vand.u32 $0x3F, v22;
	v23 =	vshll.u32 v22, $0x8;
	v20 =	vor.u32 v20, v18  }
0x6d: {  	v22 =	vshll.u32 v22, $0x7;
	v18 =	vor.u32 v21, v18;
	v21 =	vand.u32 $0x3800, v23  }
0x6e: {  	_ = 	snop  }
0x6f: {  	v23 =	vshll.u32 v19, $0x8;
	v61 =	vshll.u32 v19, $0x7  }
0x70: {  	v13 =	vor.u32 v17, v13;
	v22 =	vand.u32 $0x380, v22;
	v62 =	vor.u32 s1, v0  }
0x71: {  	v17 =	vand.u32 $0x3800, v23;
	v19 =	vand.u32 $0x380, v61;
	v21 =	vor.u32 v21, v22  }
0x72: {  	v18 =	vld.idx.msk [tilespmem:v18+s13+$0x0], $0xffff;
	v17 =	vor.u32 v17, v19;
	v19 =	vor.u32 v62, v21  }
0x73: {  	v20 =	vld.idx.msk [tilespmem:v20+s13+$0x0], $0xffff;
	v6 =	vor.u32 v5, v6;
	v17 =	vor.u32 v62, v17  }
0x74: {  	v63 =	vor.u32 v8, v6  }
0x75: {  	s0 =	simm.s32 $0x2;
	s10 =	simm.s32 $0x0;
	[tilespmem:v16+s20+$0x0] =	vst.idx.msk $0xffff, v14;
	v14 =	vor.u32 v7, v6  }
0x76: {  	s3 =	sand.u32 $0x3E, s0;
	s1 =	sand.u32 $0x70, s10;
	[tilespmem:v13+s20+$0x0] =	vst.idx.msk $0xffff, v15  }
0x77: {  	v6 =	vor.u32 v10, v9;
	v10 =	vor.u32 s31, v3;
	v7 =	vmov s1;
	s5 =	sor.u32 $0x1, s3;
	[tilespmem:v19+s20+$0x0] =	vst.idx.msk $0xffff, v18  }
0x78: {  	v8 =	vor.u32 v12, v11;
	v7 =	vshll.u32 v7, $0x6;
	v12 =	vadd.s32 s5, v0;
	[tilespmem:v17+s20+$0x0] =	vst.idx.msk $0xffff, v20  }
0x79: {  	v8 =	vor.u32 v10, v8;
	v11 =	vor.u32 v5, v7;
	v9 =	vand.u32 $0x3F, v12;
	v7 =	vld.idx.msk [tilespmem:v63+s13+$0x0], $0xffff  }
0x7a: {  	v15 =	vadd.s32 s3, v0;
	v13 =	vor.u32 v9, v11;
	v9 =	vld.idx.msk [tilespmem:v14+s13+$0x0], $0xffff  }
0x7b: {  	v16 =	vand.u32 $0x3F, v15;
	v17 =	vshll.u32 v15, $0x8  }
0x7c: {  	v11 =	vor.u32 v16, v11;
	v15 =	vshll.u32 v15, $0x7;
	v14 =	vand.u32 $0x3800, v17  }
.LBB2_13:
0x7d: {  	s0 =	sadd.s32 $0x2, s0;
	v15 =	vand.u32 $0x380, v15;
	v16 =	vor.u32 v10, v6  }
0x7e: {  	v10 =	vshll.u32 v12, $0x8;
	v12 =	vshll.u32 v12, $0x7;
	s3 =	sshrl.u32 s0, $0x2;
	p0 =	slt.u32 s0, $0x1FE;
	v6 =	vor.u32 v15, v14;
	[tilespmem:v8+s20+$0x0] =	vst.idx.msk $0xffff, v7  }
0x7f: {  	s5 =	sand.u32 $0x3E, s0;
	v8 =	vand.u32 $0x3800, v10;
	v12 =	vand.u32 $0x380, v12;
	v14 =	vmov v9;
	s3 =	sand.u32 $0x70, s3  }
.Ltmp5:
0x80: {  	v10 =	vor.u32 s1, v3;
	s10 =	sor.u32 $0x1, s5;
	v8 =	vor.u32 v12, v8;
	v9 =	vmov s3;
	v7 =	vld.idx.msk [tilespmem:v13+s13+$0x0], $0xffff;
	s1 =	smov.u32 s3;
	(pc) =	sbr.rel @p0 .LBB2_13-.Ltmp5, $4  }
0x81: {  	v12 =	vadd.s32 s10, v0;
	v8 =	vor.u32 v10, v8;
	v13 =	vshll.u32 v9, $0x6;
	v9 =	vld.idx.msk [tilespmem:v11+s13+$0x0], $0xffff  }
0x82: {  	v15 =	vadd.s32 s5, v0;
	v11 =	vor.u32 v5, v13;
	v13 =	vand.u32 $0x3F, v12;
	[tilespmem:v16+s20+$0x0] =	vst.idx.msk $0xffff, v14  }
0x83: {  	v14 =	vand.u32 $0x3F, v15;
	v16 =	vshll.u32 v15, $0x8;
	v13 =	vor.u32 v13, v11  }
0x84: {  	v15 =	vshll.u32 v15, $0x7;
	v11 =	vor.u32 v14, v11;
	v14 =	vand.u32 $0x3800, v16  }
0x85: {  	_ = 	snop  }
0x86: {  	v16 =	vshll.u32 v12, $0x8;
	v61 =	vshll.u32 v12, $0x7  }
0x87: {  	v6 =	vor.u32 v10, v6;
	v15 =	vand.u32 $0x380, v15;
	v63 =	vor.u32 s1, v3  }
0x88: {  	v62 =	vand.u32 $0x3800, v16;
	v12 =	vand.u32 $0x380, v61;
	v14 =	vor.u32 v15, v14  }
0x89: {  	v11 =	vld.idx.msk [tilespmem:v11+s13+$0x0], $0xffff;
	v10 =	vor.u32 v12, v62;
	v12 =	vor.u32 v63, v14  }
0x8a: {  	v13 =	vld.idx.msk [tilespmem:v13+s13+$0x0], $0xffff;
	v10 =	vor.u32 v63, v10  }
0x8b: {  	p0 =	seq.s32 s26, $0x18  }
.Ltmp6:
0x8c: {  	[tilespmem:v8+s20+$0x0] =	vst.idx.msk $0xffff, v7;
	(pc) =	sbr.rel @p0 .LBB2_18-.Ltmp6, $4  }
0x8d: {  	s0 =	sor.u32 s7, s30;
	[tilespmem:v6+s20+$0x0] =	vst.idx.msk $0xffff, v9  }
0x8e: {  	s0 =	sshrl.u32 s0, $0x3;
	[tilespmem:v12+s20+$0x0] =	vst.idx.msk $0xffff, v11  }
0x8f: {  	s0 =	sadd.s32 s2, s0;
	[tilespmem:v10+s20+$0x0] =	vst.idx.msk $0xffff, v13  }
0x90: {  	[hbm4b:s0+s18] =	stream.strided.scatter [tilespmem:s20], [sflag:$0x4], $0x4000, s19, s18, $0x38;
	[tilespmem:$0x1E800] =	vst v63  }
0x91: {  	s3 =	sadd.s32 $0x0, s28  }
0x92: {  	s0 =	simm.s32 $0x0;
	s1 =	simm.s32 $0x40;
	v6 =	vld [tilespmem:s3+$0x0]  }
.LBB2_16:
0x93: {  	p0 =	sne.s32 s1, $0x7C0  }
.Ltmp7:
0x94: {  	_ = 	snop;
	(pc) =	sbr.rel @p0 .LBB2_16-.Ltmp7, $4  }
0x95: {  	_ = 	snop  }
0x96: {  	s3 =	sshra.s32 s1, $0x2;
	s1 =	sadd.s32 $0x40, s1  }
0x97: {  	s5 =	sadd.s32 s3, s28;
	v7 =	vshll.u32 v6, $0x1  }
0x98: {  	v6 =	vld [tilespmem:s5+$0x0];
	[tilespmem:s0+$0x6400] =	vst v7;
	s0 =	smov.u32 s3  }
0x99: {  	_ =	sdelay $0x3  }
0x9a: {  	v6 =	vshll.u32 v6, $0x1  }
0x9b: {  	[tilespmem:s0+$0x6400] =	vst v6  }
0x9c: {  	[tilespmem:s13], [sflag:$0x1] =	stream.indirect.gather [hbm4b:s4+s9], $0x40, s12, s9, $0xb8;
	[tilespmem:$0x1E800] =	vst v63  }
.LBB2_18:
0x9d: {  	s0 =	simm.s32 $0x0  }
0x9e: {  	s1 =	simm.s32 $0x0;
	s0 =	sand.u32 $0x3E, s0  }
0x9f: {  	s10 =	simm.s32 $0x0;
	s30 =	sand.u32 $0x70, s1;
	s5 =	sor.u32 $0x1, s0  }
0xa0: {  	s1 =	sand.u32 $0x70, s10;
	v12 =	vor.u32 s30, v0;
	v9 =	vadd.s32 s0, v0;
	v10 =	vadd.s32 s5, v0  }
0xa1: {  	_ =	swait.ge [sflag:s21], $0x8000;
	v15 =	vor.u32 s1, v0;
	v8 =	vshll.u32 v12, $0x6;
	v6 =	vand.u32 $0x3F, v10  }
0xa2: {  	[sflag:s21] =	ssyncset.done $0x0;
	v7 =	vand.u32 $0x3F, v9;
	v11 =	vshll.u32 v9, $0x8;
	v13 =	vor.u32 v6, v8  }
0xa3: {  	[sflag:s21] =	ssyncadd.s32 $0xFFFF8000;
	s0 =	simm.s32 $0x2;
	v9 =	vshll.u32 v9, $0x7;
	v22 =	vand.u32 v1, v12;
	v14 =	vor.u32 v7, v8  }
0xa4: {  	_ =	swait.ge [sflag:s22], $0x4000;
	s3 =	sand.u32 $0x3E, s0;
	v16 =	vshll.u32 v10, $0x7;
	v8 =	vand.u32 $0x3800, v11;
	v11 =	vshll.u32 v10, $0x8  }
0xa5: {  	v19 =	vshll.u32 v15, $0x6;
	[sflag:s22] =	ssyncset.done $0x0;
	s31 =	sor.u32 $0x1, s3;
	v10 =	vand.u32 $0x3800, v11;
	v11 =	vand.u32 $0x380, v16  }
0xa6: {  	v9 =	vand.u32 $0x380, v9;
	[sflag:s22] =	ssyncadd.s32 $0xFFFFC000;
	v17 =	vadd.s32 s31, v0;
	v16 =	vor.u32 v10, v11  }
0xa7: {  	v21 =	vor.u32 v8, v9;
	v16 =	vor.u32 v22, v16;
	v12 =	vld.idx.msk [tilespmem:v13+s15+$0x0], $0xffff;
	v13 =	vand.u32 $0x3F, v17  }
0xa8: {  	v20 =	vadd.s32 s3, v0;
	v18 =	vor.u32 v13, v19;
	v13 =	vld.idx.msk [tilespmem:v14+s15+$0x0], $0xffff;
	v14 =	vor.u32 v22, v21  }
.LBB2_19:
0xa9: {  	s0 =	sadd.s32 $0x2, s0;
	v21 =	vand.u32 $0x3F, v20;
	v22 =	vshll.u32 v20, $0x8;
	v20 =	vshll.u32 v20, $0x7  }
0xaa: {  	s1 =	sshrl.u32 s0, $0x2;
	p0 =	slt.u32 s0, $0x1FE;
	v21 =	vor.u32 v21, v19;
	v19 =	vand.u32 $0x3800, v22;
	v20 =	vand.u32 $0x380, v20  }
.Ltmp8:
0xab: {  	s3 =	sand.u32 $0x3E, s0;
	s1 =	sand.u32 $0x70, s1;
	v22 =	vor.u32 v19, v20;
	v19 =	vshll.u32 v17, $0x8;
	v17 =	vshll.u32 v17, $0x7;
	(pc) =	sbr.rel @p0 .LBB2_19-.Ltmp8, $4  }
0xac: {  	v20 =	vor.u32 s1, v0;
	s1 =	sor.u32 $0x1, s3;
	v19 =	vand.u32 $0x3800, v19;
	v23 =	vand.u32 $0x380, v17;
	[tilespmem:v16+s17+$0x0] =	vst.idx.msk $0xffff, v12  }
0xad: {  	v24 =	vand.u32 v1, v15;
	v17 =	vadd.s32 s1, v0;
	v12 =	vld.idx.msk [tilespmem:v18+s15+$0x0], $0xffff;
	v16 =	vor.u32 v19, v23;
	v15 =	vmovc v20  }
0xae: {  	v19 =	vshll.u32 v15, $0x6;
	v18 =	vand.u32 $0x3F, v17;
	v16 =	vor.u32 v24, v16;
	[tilespmem:v14+s17+$0x0] =	vst.idx.msk $0xffff, v13  }
0xaf: {  	v20 =	vadd.s32 s3, v0;
	v14 =	vor.u32 v24, v22;
	v18 =	vor.u32 v18, v19;
	v13 =	vld.idx.msk [tilespmem:v21+s15+$0x0], $0xffff  }
0xb0: {  	v21 =	vand.u32 $0x3F, v20  }
0xb1: {  	v22 =	vshll.u32 v20, $0x8;
	v58 =	vshll.u32 v20, $0x7;
	v19 =	vor.u32 v21, v19  }
0xb2: {  	v60 =	vshll.u32 v17, $0x8;
	v17 =	vshll.u32 v17, $0x7;
	v15 =	vand.u32 v1, v15  }
0xb3: {  	v59 =	vand.u32 $0x3800, v22;
	v22 =	vand.u32 $0x3800, v60;
	v17 =	vand.u32 $0x380, v17  }
0xb4: {  	v61 =	vmov s30;
	v20 =	vand.u32 $0x380, v58;
	v17 =	vor.u32 v22, v17  }
0xb5: {  	v18 =	vld.idx.msk [tilespmem:v18+s15+$0x0], $0xffff;
	v62 =	vshll.u32 v61, $0x6;
	v20 =	vor.u32 v59, v20;
	v17 =	vor.u32 v15, v17  }
0xb6: {  	v63 =	vor.u32 v2, v62;
	v15 =	vor.u32 v15, v20;
	v19 =	vld.idx.msk [tilespmem:v19+s15+$0x0], $0xffff  }
0xb7: {  	v21 =	vor.u32 v6, v63  }
0xb8: {  	s0 =	simm.s32 $0x2;
	s1 =	simm.s32 $0x0;
	[tilespmem:v16+s17+$0x0] =	vst.idx.msk $0xffff, v12;
	v16 =	vor.u32 v7, v63  }
0xb9: {  	s3 =	sand.u32 $0x3E, s0;
	s1 =	sand.u32 $0x70, s1;
	[tilespmem:v14+s17+$0x0] =	vst.idx.msk $0xffff, v13  }
0xba: {  	s5 =	sor.u32 $0x1, s3;
	v12 =	vor.u32 s30, v3;
	v6 =	vor.u32 v9, v8;
	v7 =	vmov s1;
	[tilespmem:v17+s17+$0x0] =	vst.idx.msk $0xffff, v18  }
0xbb: {  	v8 =	vor.u32 v11, v10;
	v11 =	vadd.s32 s5, v0;
	v7 =	vshll.u32 v7, $0x6;
	[tilespmem:v15+s17+$0x0] =	vst.idx.msk $0xffff, v19  }
0xbc: {  	v9 =	vor.u32 v12, v8;
	v8 =	vand.u32 $0x3F, v11;
	v10 =	vor.u32 v2, v7;
	v7 =	vld.idx.msk [tilespmem:v21+s15+$0x0], $0xffff  }
0xbd: {  	v13 =	vor.u32 v8, v10;
	v15 =	vadd.s32 s3, v0;
	v8 =	vld.idx.msk [tilespmem:v16+s15+$0x0], $0xffff  }
0xbe: {  	v14 =	vand.u32 $0x3F, v15;
	v17 =	vshll.u32 v15, $0x8  }
0xbf: {  	v15 =	vshll.u32 v15, $0x7;
	v10 =	vor.u32 v14, v10;
	v14 =	vand.u32 $0x3800, v17  }
.LBB2_21:
0xc0: {  	s0 =	sadd.s32 $0x2, s0;
	v15 =	vand.u32 $0x380, v15;
	v16 =	vor.u32 v12, v6  }
0xc1: {  	v12 =	vshll.u32 v11, $0x8;
	v11 =	vshll.u32 v11, $0x7;
	s3 =	sshrl.u32 s0, $0x2;
	p0 =	slt.u32 s0, $0x1FE;
	v6 =	vor.u32 v15, v14;
	[tilespmem:v9+s17+$0x0] =	vst.idx.msk $0xffff, v7  }
0xc2: {  	s5 =	sand.u32 $0x3E, s0;
	v9 =	vand.u32 $0x3800, v12;
	v11 =	vand.u32 $0x380, v11;
	v14 =	vmov v8;
	s3 =	sand.u32 $0x70, s3  }
.Ltmp9:
0xc3: {  	v12 =	vor.u32 s1, v3;
	s10 =	sor.u32 $0x1, s5;
	v9 =	vor.u32 v11, v9;
	v8 =	vmov s3;
	v7 =	vld.idx.msk [tilespmem:v13+s15+$0x0], $0xffff;
	s1 =	smov.u32 s3;
	(pc) =	sbr.rel @p0 .LBB2_21-.Ltmp9, $4  }
0xc4: {  	v11 =	vadd.s32 s10, v0;
	v9 =	vor.u32 v12, v9;
	v13 =	vshll.u32 v8, $0x6;
	v8 =	vld.idx.msk [tilespmem:v10+s15+$0x0], $0xffff  }
0xc5: {  	v15 =	vadd.s32 s5, v0;
	v10 =	vor.u32 v2, v13;
	v13 =	vand.u32 $0x3F, v11;
	[tilespmem:v16+s17+$0x0] =	vst.idx.msk $0xffff, v14  }
0xc6: {  	v14 =	vand.u32 $0x3F, v15;
	v16 =	vshll.u32 v15, $0x8;
	v13 =	vor.u32 v13, v10  }
0xc7: {  	v15 =	vshll.u32 v15, $0x7;
	v10 =	vor.u32 v14, v10;
	v14 =	vand.u32 $0x3800, v16  }
0xc8: {  	_ = 	snop  }
0xc9: {  	v16 =	vshll.u32 v11, $0x8;
	v11 =	vshll.u32 v11, $0x7  }
0xca: {  	v15 =	vand.u32 $0x380, v15;
	v16 =	vand.u32 $0x3800, v16;
	v11 =	vand.u32 $0x380, v11  }
0xcb: {  	v6 =	vor.u32 v12, v6;
	v12 =	vor.u32 s1, v3;
	v11 =	vor.u32 v11, v16  }
0xcc: {  	v13 =	vld.idx.msk [tilespmem:v13+s15+$0x0], $0xffff;
	v14 =	vor.u32 v15, v14;
	v11 =	vor.u32 v12, v11  }
0xcd: {  	v10 =	vld.idx.msk [tilespmem:v10+s15+$0x0], $0xffff;
	s0 =	simm.s32 $0x0;
	s31 =	simm.s32 $0x0;
	v12 =	vor.u32 v12, v14  }
0xce: {  	s0 =	sand.u32 $0x3E, s0;
	s30 =	sand.u32 $0x70, s31  }
0xcf: {  	[tilespmem:v9+s17+$0x0] =	vst.idx.msk $0xffff, v7;
	v7 =	vmov s30;
	s3 =	sor.u32 $0x1, s0  }
0xd0: {  	v14 =	vadd.s32 s3, v0;
	[tilespmem:v6+s17+$0x0] =	vst.idx.msk $0xffff, v8;
	v6 =	vshll.u32 v7, $0x6  }
0xd1: {  	s5 =	sshll.u32 s29, $0x11;
	v8 =	vand.u32 $0x3F, v14;
	v9 =	vor.u32 v4, v6;
	[tilespmem:v11+s17+$0x0] =	vst.idx.msk $0xffff, v13;
	v11 =	vadd.s32 s0, v0  }
0xd2: {  	s10 =	sadd.s32 s5, s6;
	s31 =	simm.s32 $0x0;
	v17 =	vor.u32 s30, v0;
	v15 =	vor.u32 v8, v9;
	[tilespmem:v12+s17+$0x0] =	vst.idx.msk $0xffff, v10;
	s0 =	simm.s32 $0x2;
	v7 =	vand.u32 $0x3F, v11  }
0xd3: {  	v12 =	vshll.u32 v14, $0x7;
	v10 =	vshll.u32 v11, $0x8;
	[hbm4b:s10+s18] =	stream.strided.scatter [tilespmem:s17], [sflag:$0x3], $0x4000, s19, s18, $0x38;
	v18 =	vor.u32 v7, v9;
	[tilespmem:$0x1E800] =	vst v63  }
0xd4: {  	s1 =	sand.u32 $0x70, s31;
	s3 =	sand.u32 $0x3E, s0;
	v9 =	vand.u32 $0x3800, v10;
	v10 =	vshll.u32 v11, $0x7;
	v11 =	vshll.u32 v14, $0x8;
	_ =	swait.ge [sflag:s23], $0x4000  }
0xd5: {  	v12 =	vand.u32 $0x380, v12;
	v14 =	vmov s1;
	s5 =	sor.u32 $0x1, s3;
	v11 =	vand.u32 $0x3800, v11;
	[sflag:s23] =	ssyncset.done $0x0  }
0xd6: {  	v14 =	vshll.u32 v14, $0x6;
	v19 =	vadd.s32 s5, v0;
	v16 =	vor.u32 v11, v12;
	[sflag:s23] =	ssyncadd.s32 $0xFFFFC000  }
0xd7: {  	v21 =	vor.u32 v4, v14;
	v14 =	vand.u32 $0x3F, v19;
	v16 =	vor.u32 v17, v16;
	v15 =	vld.idx.msk [tilespmem:v15+s15+$0x0], $0xffff  }
0xd8: {  	v22 =	vadd.s32 s3, v0;
	v10 =	vand.u32 $0x380, v10;
	v20 =	vor.u32 v14, v21;
	v14 =	vld.idx.msk [tilespmem:v18+s15+$0x0], $0xffff  }
0xd9: {  	v23 =	vand.u32 $0x3F, v22;
	v24 =	vshll.u32 v22, $0x8;
	v22 =	vshll.u32 v22, $0x7  }
0xda: {  	v13 =	vor.u32 v9, v10;
	v18 =	vor.u32 v23, v21;
	v21 =	vand.u32 $0x3800, v24  }
.LBB2_23:
0xdb: {  	s0 =	sadd.s32 $0x2, s0;
	v22 =	vand.u32 $0x380, v22;
	v23 =	vor.u32 v17, v13  }
0xdc: {  	v17 =	vshll.u32 v19, $0x8;
	v19 =	vshll.u32 v19, $0x7;
	s3 =	sshrl.u32 s0, $0x2;
	p0 =	slt.u32 s0, $0x1FE;
	v13 =	vor.u32 v21, v22;
	[tilespmem:v16+s20+$0x0] =	vst.idx.msk $0xffff, v15  }
0xdd: {  	s5 =	sand.u32 $0x3E, s0;
	v16 =	vand.u32 $0x3800, v17;
	v19 =	vand.u32 $0x380, v19;
	v21 =	vmov v14;
	s3 =	sand.u32 $0x70, s3  }
.Ltmp10:
0xde: {  	v17 =	vor.u32 s1, v0;
	s10 =	sor.u32 $0x1, s5;
	v16 =	vor.u32 v16, v19;
	v14 =	vmov s3;
	v15 =	vld.idx.msk [tilespmem:v20+s15+$0x0], $0xffff;
	s1 =	smov.u32 s3;
	(pc) =	sbr.rel @p0 .LBB2_23-.Ltmp10, $4  }
0xdf: {  	v19 =	vadd.s32 s10, v0;
	v16 =	vor.u32 v17, v16;
	v20 =	vshll.u32 v14, $0x6;
	v14 =	vld.idx.msk [tilespmem:v18+s15+$0x0], $0xffff  }
0xe0: {  	v22 =	vadd.s32 s5, v0;
	v18 =	vor.u32 v4, v20;
	v20 =	vand.u32 $0x3F, v19;
	[tilespmem:v23+s20+$0x0] =	vst.idx.msk $0xffff, v21  }
0xe1: {  	v21 =	vand.u32 $0x3F, v22;
	v23 =	vshll.u32 v22, $0x8;
	v20 =	vor.u32 v20, v18  }
0xe2: {  	v22 =	vshll.u32 v22, $0x7;
	v18 =	vor.u32 v21, v18;
	v21 =	vand.u32 $0x3800, v23  }
0xe3: {  	_ = 	snop  }
0xe4: {  	v23 =	vshll.u32 v19, $0x8;
	v61 =	vshll.u32 v19, $0x7  }
0xe5: {  	v13 =	vor.u32 v17, v13;
	v22 =	vand.u32 $0x380, v22;
	v62 =	vor.u32 s1, v0  }
0xe6: {  	v17 =	vand.u32 $0x3800, v23;
	v19 =	vand.u32 $0x380, v61;
	v21 =	vor.u32 v21, v22  }
0xe7: {  	v18 =	vld.idx.msk [tilespmem:v18+s15+$0x0], $0xffff;
	v17 =	vor.u32 v17, v19;
	v19 =	vor.u32 v62, v21  }
0xe8: {  	v20 =	vld.idx.msk [tilespmem:v20+s15+$0x0], $0xffff;
	v6 =	vor.u32 v5, v6;
	v17 =	vor.u32 v62, v17  }
0xe9: {  	v63 =	vor.u32 v8, v6  }
0xea: {  	s0 =	simm.s32 $0x2;
	s31 =	simm.s32 $0x0;
	[tilespmem:v16+s20+$0x0] =	vst.idx.msk $0xffff, v15;
	v15 =	vor.u32 v7, v6  }
0xeb: {  	s3 =	sand.u32 $0x3E, s0;
	s1 =	sand.u32 $0x70, s31;
	[tilespmem:v13+s20+$0x0] =	vst.idx.msk $0xffff, v14  }
0xec: {  	v6 =	vor.u32 v10, v9;
	v10 =	vor.u32 s30, v3;
	v7 =	vmov s1;
	s5 =	sor.u32 $0x1, s3;
	[tilespmem:v19+s20+$0x0] =	vst.idx.msk $0xffff, v18  }
0xed: {  	v8 =	vor.u32 v12, v11;
	v7 =	vshll.u32 v7, $0x6;
	v12 =	vadd.s32 s5, v0;
	[tilespmem:v17+s20+$0x0] =	vst.idx.msk $0xffff, v20  }
0xee: {  	v8 =	vor.u32 v10, v8;
	v11 =	vor.u32 v5, v7;
	v9 =	vand.u32 $0x3F, v12;
	v7 =	vld.idx.msk [tilespmem:v63+s15+$0x0], $0xffff  }
0xef: {  	v16 =	vadd.s32 s3, v0;
	v13 =	vor.u32 v9, v11;
	v9 =	vld.idx.msk [tilespmem:v15+s15+$0x0], $0xffff  }
0xf0: {  	v14 =	vand.u32 $0x3F, v16;
	v17 =	vshll.u32 v16, $0x8  }
0xf1: {  	v11 =	vor.u32 v14, v11;
	v14 =	vand.u32 $0x3800, v17;
	v15 =	vshll.u32 v16, $0x7  }
.LBB2_25:
0xf2: {  	s0 =	sadd.s32 $0x2, s0;
	v15 =	vand.u32 $0x380, v15;
	v16 =	vor.u32 v10, v6  }
0xf3: {  	v10 =	vshll.u32 v12, $0x8;
	v12 =	vshll.u32 v12, $0x7;
	s3 =	sshrl.u32 s0, $0x2;
	p0 =	slt.u32 s0, $0x1FE;
	v6 =	vor.u32 v15, v14;
	[tilespmem:v8+s20+$0x0] =	vst.idx.msk $0xffff, v7  }
0xf4: {  	s5 =	sand.u32 $0x3E, s0;
	v8 =	vand.u32 $0x3800, v10;
	v12 =	vand.u32 $0x380, v12;
	v14 =	vmov v9;
	s3 =	sand.u32 $0x70, s3  }
.Ltmp11:
0xf5: {  	v10 =	vor.u32 s1, v3;
	s10 =	sor.u32 $0x1, s5;
	v8 =	vor.u32 v12, v8;
	v9 =	vmov s3;
	v7 =	vld.idx.msk [tilespmem:v13+s15+$0x0], $0xffff;
	s1 =	smov.u32 s3;
	(pc) =	sbr.rel @p0 .LBB2_25-.Ltmp11, $4  }
0xf6: {  	v12 =	vadd.s32 s10, v0;
	v8 =	vor.u32 v10, v8;
	v13 =	vshll.u32 v9, $0x6;
	v9 =	vld.idx.msk [tilespmem:v11+s15+$0x0], $0xffff  }
0xf7: {  	v15 =	vadd.s32 s5, v0;
	v11 =	vor.u32 v5, v13;
	v13 =	vand.u32 $0x3F, v12;
	[tilespmem:v16+s20+$0x0] =	vst.idx.msk $0xffff, v14  }
0xf8: {  	v14 =	vand.u32 $0x3F, v15;
	v16 =	vshll.u32 v15, $0x8;
	v13 =	vor.u32 v13, v11  }
0xf9: {  	v15 =	vshll.u32 v15, $0x7;
	v11 =	vor.u32 v14, v11;
	v14 =	vand.u32 $0x3800, v16  }
0xfa: {  	_ = 	snop  }
0xfb: {  	v16 =	vshll.u32 v12, $0x8;
	v61 =	vshll.u32 v12, $0x7  }
0xfc: {  	v6 =	vor.u32 v10, v6;
	v15 =	vand.u32 $0x380, v15;
	v63 =	vor.u32 s1, v3  }
0xfd: {  	v62 =	vand.u32 $0x3800, v16;
	v12 =	vand.u32 $0x380, v61;
	v14 =	vor.u32 v15, v14  }
0xfe: {  	v11 =	vld.idx.msk [tilespmem:v11+s15+$0x0], $0xffff;
	v10 =	vor.u32 v12, v62;
	v12 =	vor.u32 v63, v14  }
0xff: {  	v13 =	vld.idx.msk [tilespmem:v13+s15+$0x0], $0xffff;
	s26 =	sadd.s32 $0x1, s26;
	v10 =	vor.u32 v63, v10  }
0x100: {  	p0 =	sne.s32 s26, $0x19  }
.Ltmp12:
0x101: {  	[tilespmem:v8+s20+$0x0] =	vst.idx.msk $0xffff, v7;
	s0 =	sshll.u32 s29, $0x14;
	(pc) =	sbr.rel @p0 .LBB2_4-.Ltmp12, $4  }
0x102: {  	s0 =	sor.u32 s7, s0;
	[tilespmem:v6+s20+$0x0] =	vst.idx.msk $0xffff, v9  }
0x103: {  	s0 =	sshrl.u32 s0, $0x3;
	[tilespmem:v12+s20+$0x0] =	vst.idx.msk $0xffff, v11  }
0x104: {  	s25 =	sadd.s32 $0x400, s25;
	s28 =	sadd.s32 $0x400, s28;
	s0 =	sadd.s32 s2, s0;
	[tilespmem:v10+s20+$0x0] =	vst.idx.msk $0xffff, v13  }
0x105: {  	[hbm4b:s0+s18] =	stream.strided.scatter [tilespmem:s20], [sflag:$0x4], $0x4000, s19, s18, $0x38;
	[tilespmem:$0x1E800] =	vst v63  }
0x106: {  	s24 =	sadd.s32 $0x1, s24  }
0x107: {  	_ =	swait.ge [sflag:s22], $0x4000;
	p0 =	sne.s32 s24, s8  }
.Ltmp13:
0x108: {  	[sflag:s22] =	ssyncset.done $0x0;
	(pc) =	sbr.rel @p0 .LBB2_1-.Ltmp13, $4  }
0x109: {  	[sflag:s22] =	ssyncadd.s32 $0xFFFFC000  }
0x10a: {  	_ =	swait.ge [sflag:s23], $0x4000  }
0x10b: {  	[sflag:s23] =	ssyncset.done $0x0  }
0x10c: {  	[sflag:s23] =	ssyncadd.s32 $0xFFFFC000  }
0x10d: {  	_ =	sfence.sel $0x180000  }
0x10e: {  	[bflag:$0x0] =	sbarrier.arrive $0xFFFF  }
0x10f: {  	_ =	strace $0x9000004A  }
0x110: {  	s0 =	stileid.u32;
	[bflag:$0x2] =	sbarrier.arrive $0xFFFF  }
0x111: {  	p0 =	sne.s32 s0, $0x0;
	s0 =	rddreg [dreg:$0x2]  }
0x112: {  	s0 =	sadd.s32 @!p0 $0x100000, s0  }
0x113: {  	[sflag:s0] =	ssyncadd.tile.s32 @!p0 $0x1;
	_ =	shalt  }
.Lfunc_end2:
_tile_overlayer_lowered:
.L_overlay_start_2:
0x114: {  	(tag) =	ssettag $0x2  }
0x115: {  	s0 =	rddreg [dreg:$0x0];
	s2 =	stileid.u32  }
0x116: {  	s1 =	rddreg [dreg:$0x1];
	p0 =	sne.s32 s2, $0x0  }
0x117: {  	s3 =	rddreg [dreg:$0x2];
	[bflag:$0x3] =	sbarrier.arrive $0xFFFF;
	s2 =	simm.s32 @!p0 $0x1C05  }
0x118: {  	[timem:s3], [sflag:s2] =	dma.local @!p0 [hbm:s0], s1  }
0x119: {  	s0 =	simm.s32 @!p0 $0x5  }
0x11a: {  	_ =	swait.ge @!p0 [sflag:s0], s1  }
0x11b: {  	s1 =	ssub.s32 @!p0 $0x0, s1;
	[sflag:s0] =	ssyncset.done @!p0 $0x0  }
0x11c: {  	[sflag:s0] =	ssyncadd.s32 @!p0 s1  }
0x11d: {  	[bflag:$0x3] =	sbarrier.arrive $0xFFFF  }
0x11e: {  	_ =	shalt  }

// kernel: sparse-core-data-format-call.cloned.1.call-start
scs
called_computation_lowered:
.L_overlay_start_0:
0x0: {  	s2 =	sld [smem:$0x3FD9]  }
0x1: {  	s3 =	sld [smem:$0x3FFE];
	_ =	sdelay $0x1  }
0x2: {  	s1 =	srdreg.scid  }
0x3: {  	s0 =	sand.u32 $0x1, s1  }
0x4: {  	s18 =	sshll.u32 s0, $0xA;
	s2 =	sadd.s32 s3, s2  }
0x5: {  	s2 =	sadd.s32 s2, s18  }
0x6: {  	[smem:$0x3FC6] =	sst s2  }
0x7: {  	_ = 	snop  }
0x8: {  	s2 =	sld [smem:$0x3FC8];
	(tm) =	ssettm $0x1  }
0x9: {  	s19 =	sld [smem:$0x3FFB];
	_ =	sdelay $0x3  }
0xa: {  	_ =	strace s19  }
0xb: {  	s3 =	sld [smem:$0x3FFC];
	_ =	sdelay $0x3  }
0xc: {  	_ =	strace s3  }
0xd: {  	s3 =	sld [smem:$0x3FFD];
	_ =	sdelay $0x3  }
0xe: {  	_ =	strace s3  }
0xf: {  	_ =	strace $0x8FFFFFFF  }
0x10: {  	s20 =	sld [smem:$0x3FDB];
	_ =	sdelay $0x1  }
0x11: {  	s4 =	simm.s32 $_scs_section_size  }
0x12: {  	s5 =	simm.s32 $_size__tile_overlayer_lowered;
	s6 =	simm.s32 $_tile_overlayer_lowered  }
0x13: {  	s23 =	simm.s32 $0x1BFF;
	s22 =	sshll.u32 s6, $0x1;
	s3 =	sadd.s32 s4, s20  }
0x14: {  	s7 =	simm.s32 $0x0;
	s21 =	sshll.u32 s5, $0x1;
	s5 =	sadd.s32 s22, s3  }
0x15: {  	[timem:s7], [sflag:s23] =	dma.local [hbm:s5], s21  }
0x16: {  	_ =	swait.ge [sflag:s23], s21  }
0x17: {  	s4 =	ssub.s32 $0x0, s21;
	[sflag:s23] =	ssyncset.done $0x0  }
0x18: {  	[sflag:s23] =	ssyncadd.s32 s4;
	_ =	sdelay $0x1  }
0x19: {  	s24 =	simm.s32 $0x1B8B  }
0x1a: {  	_ =	swait.ge [sflag:s24], $0x1  }
0x1b: {  	[sflag:s24] =	ssyncset.done $0x0  }
0x1c: {  	s26 =	simm.s32 $0x1B8E;
	s25 =	sld [smem:$0x3FFE];
	[sflag:s24] =	ssyncadd.s32 $0xFFFFFFFF  }
0x1d: {  	s27 =	simm.s32 $execute0_lowered;
	[smem:$0x3FD2] =	sst s26  }
0x1e: {  	s5 =	sshll.u32 s27, $0x1;
	_ =	strace $0x80000046;
	[dreg:$0x1] =	wrdreg $0xFFFFFFFF  }
0x1f: {  	s28 =	simm.s32 $_size_execute0_lowered;
	s3 =	sadd.s32 s3, s5;
	[dreg:$0x0] =	wrdreg $0x0  }
0x20: {  	s5 =	sshll.u32 s28, $0x1;
	[dreg:$0x2] =	wrdreg s3  }
0x21: {  	[dreg:$0x3] =	wrdreg s5  }
0x22: {  	[dreg:$0x4] =	wrdreg $0xC0  }
0x23: {  	_ =	task [dreg:s7], $0x5FFFF  }
0x24: {  	[dreg:$0x1] =	wrdreg $0xFFFFFFFF  }
0x25: {  	[dreg:$0x0] =	wrdreg $0x60  }
0x26: {  	[dreg:$0x2] =	wrdreg s2  }
0x27: {  	[dreg:$0x3] =	wrdreg s25  }
0x28: {  	[dreg:$0x4] =	wrdreg $0x9  }
0x29: {  	_ =	task.clear_ibuf [dreg:s7], $0x5FFFF;
	_ =	strace $0x90000046  }
0x2a: {  	s29 =	simm.s32 $0x9;
	_ =	strace $0x80000048  }
0x2b: {  	_ =	swait.ge [sflag:s29], $0x1  }
0x2c: {  	[sflag:s29] =	ssyncadd.s32 $0xFFFFFFFF  }
0x2d: {  	_ =	strace $0x90000048  }
0x2e: {  	_ =	sfence  }
0x2f: {  	s30 =	sld [smem:$0x0];
	_ =	sdelay $0x2  }
0x30: {  	s31 =	sshll.u32 s1, $0xD;
	s1 =	sshrl.u32 s1, $0x2  }
0x31: {  	s3 =	sand.u32 $0x4000, s31;
	s1 =	sadd.s32 s1, s30  }
0x32: {  	s0 =	sor.u32 s3, s0;
	s1 =	sshll.u32 s1, $0x11  }
0x33: {  	s0 =	sor.u32 s1, s0  }
0x34: {  	s0 =	sadd.s32 $0x8F2B, s0  }
0x35: {  	[sflag:s0] =	ssyncadd.remote.s32 $0x1  }
0x36: {  	_ =	sfence.sel $0xFFFF  }
0x37: {  	[dreg:$0x0] =	wrdreg $0xFFFFFFFF;
	(pc) =	sbr.abs _section_cstart, $3  }
0x38: {  	[dreg:$0x1] =	wrdreg $0xFFFFFFFF  }
0x39: {  	_ =	task.clear_ibuf [dreg:s7], $0x2FFFF;
	_ =	strace $0x9FFFFFFF  }
0x3a: {  	(tm) =	ssettm $0x7FFFFFFF  }
0x3b: {  	_ =	shalt  }
tec
execute0_lowered:
.L_overlay_start_1:
0x0: {  	(tag) =	ssettag $0x1  }
0x1: {  	s0 =	srdreg.scid;
	s2 =	rddreg [dreg:$0x0]  }
0x2: {  	s5 =	rddreg [dreg:$0x1];
	s1 =	stileid.u32  }
0x3: {  	s4 =	simm.s32 $0x1;
	s6 =	simm.s32 $0x2;
	s15 =	simm.s32 $0x0  }
0x4: {  	p0 =	por $0x0, $0x0;
	s8 =	simm.s32 $0x80;
	s0 =	sshll.u32 s0, $0x4  }
0x5: {  	s14 =	simm.s32 $0x0;
	s9 =	simm.s32 $0x0;
	s3 =	sand.u32 $0x10, s0  }
.Ltmp0:
0x6: {  	s10 =	simm.s32 $0x0;
	s3 =	sor.u32 s1, s3;
	(pc) =	sbr.rel .LBB1_1-.Ltmp0, $4  }
0x7: {  	s0 =	rddreg [dreg:$0x2];
	_ =	strace $0x80000047;
	s3 =	sshll.u32 s3, $0x7  }
0x8: {  	s12 =	simm.s32 $0x0;
	[sflag:s4] =	ssyncpa.u1 $0x0;
	s7 =	ssub.s32 $0xF4200, s3  }
0x9: {  	s13 =	simm.s32 $0x0;
	[sflag:s6] =	ssyncpa.u1 $0x0;
	s6 =	sshrl.u32 s7, $0xC  }
0xa: {  	s5 =	sadd.s32 $0xA00, s5;
	s11 =	smov.u32 s3;
	s7 =	sadd.s32 $0x2, s6  }
.LBB1_5:
0xb: {  	p1 =	slt.u32 s13, $0x2  }
0xc: {  	s17 =	smov.u32 s15;
	p2 =	sgt.s32 @!p1 s15, $0xF41C0;
	s16 =	sshra.s32 @!p1 s15, $0x1F  }
0xd: {  	p3 =	sgt.s32 @!p1 s14, $0x40;
	s18 =	sshra.s32 @!p1 s14, $0x1F;
	p2 =	por !p2, p1  }
0xe: {  	s15 =	sand.u32 @!p1 s16, s15;
	p3 =	por !p3, p1;
	s16 =	smov.u32 s14  }
0xf: {  	s14 =	sand.u32 @!p1 s18, s14;
	s17 =	simm.s32 @p2 $0xF41C0;
	s16 =	simm.s32 @p3 $0x40  }
0x10: {  	s15 =	ssub.s32 @!p1 s17, s15;
	s14 =	ssub.s32 @!p1 s16, s14  }
0x11: {  	s18 =	smov.u32 s12;
	s16 =	sadd.s32 @!p1 $0xFFF0BE40, s15;
	s17 =	sadd.s32 @!p1 $0xFFFFFFC0, s14  }
0x12: {  	s15 =	ssub.s32 @!p1 $0xF4240, s15;
	p2 =	sgt.s32 @!p1 s16, $0x7F;
	p3 =	sgt.s32 @!p1 s17, $0x3F  }
0x13: {  	s14 =	ssub.s32 @!p1 $0x80, s14;
	p2 =	por !p2, p1;
	p3 =	por !p3, p1  }
0x14: {  	s16 =	sadd.s32 $0x1000, s11;
	s15 =	simm.s32 @!p2 $0x0;
	s14 =	simm.s32 @!p3 $0x0  }
0x15: {  	p2 =	sgt.s32 s16, $0xF423F;
	s14 =	smul.u32 @!p1 s14, s15;
	s15 =	sadd.s32 $0x40, s12  }
0x16: {  	s18 =	smov.u32 @p2 s15  }
0x17: {  	s16 =	smov.u32 @p2 s3;
	p2 =	sgt.s32 s18, $0x3F  }
0x18: {  	s18 =	simm.s32 @p2 $0x0;
	p2 =	sne.s32 s13, s7  }
.Ltmp1:
0x19: {  	p0 =	por !p0, !p0;
	s17 =	simm.s32 @!p1 $0x2;
	(pc) =	sbr.rel @!p2 .LBB1_6-.Ltmp1, $4  }
0x1a: {  	s15 =	smov.u32 s9;
	s9 =	smov.u32 s11;
	s14 =	sand.u32 @!p1 $0x3FFFFFFF, s14  }
0x1b: {  	s11 =	smov.u32 s16;
	_ =	swait.ge @!p1 [sflag:s17], s14;
	s19 =	ssub.s32 @!p1 $0x0, s14  }
0x1c: {  	s14 =	smov.u32 s10;
	s13 =	sadd.s32 $0x1, s13;
	[sflag:s17] =	ssyncset.done @!p1 $0x0  }
0x1d: {  	s10 =	smov.u32 s12;
	s12 =	smov.u32 s18;
	[sflag:s17] =	ssyncadd.s32 @!p1 s19  }
.LBB1_1:
0x1e: {  	p1 =	sgt.u32 s13, s6  }
0x1f: {  	s16 =	sshrl.u32 @!p1 s12, $0x3  }
0x20: {  	s17 =	sshll.u32 @!p1 s11, $0x3;
	s16 =	smul.u32 @!p1 $0x7A1400, s16  }
0x21: {  	s18 =	sshll.u32 @!p1 s12, $0x7;
	s17 =	sand.u32 @!p1 $0xFFFFFC00, s17  }
0x22: {  	s16 =	sadd.s32 @!p1 s16, s17;
	s17 =	sand.u32 @!p1 $0x380, s18  }
0x23: {  	s18 =	sand.u32 @!p1 $0x7F, s11;
	s16 =	sor.u32 @!p1 s17, s16  }
0x24: {  	s17 =	sor.u32 @!p1 s18, s16  }
0x25: {  	s18 =	smulhi.u32 @!p1 $0x218D6287, s17;
	_ =	sdelay $0x1  }
0x26: {  	s16 =	smulhi.u32 @!p1 $0x218D6287, s16;
	s18 =	sshrl.u32 @!p1 s18, $0x11  }
0x27: {  	s18 =	smul.u32 @!p1 $0xF4280, s18  }
0x28: {  	s19 =	sxor.u32 @!p1 $0xFFFFFFFF, s13;
	s16 =	sshrl.u32 @!p1 s16, $0x11  }
0x29: {  	s19 =	sshll.u32 @!p1 s19, $0xD;
	s16 =	sand.u32 @!p1 $0x3F, s16;
	s17 =	ssub.s32 @!p1 s17, s18  }
0x2a: {  	s16 =	smul.u32 @!p1 $0x1E850, s16;
	s18 =	sshrl.u32 @!p1 s17, $0x3;
	s17 =	sand.u32 @!p1 $0x7, s17  }
0x2b: {  	s19 =	sand.u32 @!p1 $0x2000, s19;
	s18 =	sadd.s32 @!p1 s2, s18;
	s17 =	sshll.u32 @!p1 s17, $0x12  }
0x2c: {  	s16 =	sadd.s32 @!p1 s16, s18;
	s17 =	sor.u32 @!p1 $0x400, s17;
	s18 =	simm.s32 @!p1 $0x7A1400  }
0x2d: {  	[tilespmem:s19], [sflag:$0x1] =	stream.strided.gather @!p1 [hbm4b:s16+s17], $0x2000, s18, s17, $0x38;
	[tilespmem:$0x8100] =	vst v63  }
0x2e: {  	p1 =	seq.s32 s13, $0x0  }
0x2f: {  	p2 =	sge.u32 @!p1 s13, s7  }
0x30: {  	p1 =	por p1, p2  }
.Ltmp2:
0x31: {  	_ = 	snop;
	(pc) =	sbr.rel @p1 .LBB1_5-.Ltmp2, $1  }
0x32: {  	_ =	sdelay $0x3  }
0x33: {  	s16 =	simm.s32 $0x1  }
0x34: {  	_ =	swait.ge [sflag:s4], $0x2000;
	s16 =	simm.s32 @!p0 $0x0  }
0x35: {  	[sflag:s4] =	ssyncset.done $0x0;
	s17 =	sshll.u32 s16, $0xD  }
0x36: {  	[sflag:s4] =	ssyncadd.s32 $0xFFFFE000;
	s17 =	sor.u32 $0x40, s17  }
0x37: {  	s16 =	smul.u32 $0x8200, s16;
	v0 =	vld [tilespmem:s17+$0x30]  }
0x38: {  	v1 =	vld [tilespmem:s17+$0xFFFFFFD0]  }
0x39: {  	s16 =	sshrl.u32 s16, $0x2;
	v5 =	vld [tilespmem:s17+$0xFFFFFFE0]  }
0x3a: {  	v6 =	vld [tilespmem:s17+$0xFFFFFFF0];
	s19 =	sor.u32 $0x4000, s16  }
0x3b: {  	s31 =	sand.u32 $0x1, s13;
	v4 =	vld [tilespmem:s17+$0x0];
	s18 =	sadd.s32 $0x0, s19  }
0x3c: {  	v3 =	vld [tilespmem:s17+$0x10];
	s16 =	smul.u32 $0x8200, s31;
	[tilespmem:s18+$0x1C70 ss:$0x41] =	vst.msk $0xffff, v0  }
0x3d: {  	v2 =	vld [tilespmem:s17+$0x20];
	[tilespmem:s18+$0x410 ss:$0x41] =	vst.msk $0xffff, v1  }
0x3e: {  	s16 =	sshrl.u32 s16, $0x2;
	v1 =	vld [tilespmem:s17+$0xFFFFFFC0];
	[tilespmem:s18+$0x820 ss:$0x41] =	vst.msk $0xffff, v5;
	s17 =	sadd.s32 $0x80, s17  }
0x3f: {  	s20 =	simm.s32 $0x4;
	s21 =	simm.s32 $0x8;
	s16 =	sor.u32 $0x4000, s16;
	[tilespmem:s18+$0xC30 ss:$0x41] =	vst.msk $0xffff, v6;
	v0 =	vld [tilespmem:s17+$0x30]  }
.LBB1_3:
0x40: {  	p1 =	sne.s32 s21, $0xFC;
	v5 =	vld [tilespmem:s17+$0xFFFFFFD0];
	[tilespmem:s18+$0x1040 ss:$0x41] =	vst.msk $0xffff, v4  }
0x41: {  	v6 =	vld [tilespmem:s17+$0xFFFFFFE0];
	[tilespmem:s18+$0x1450 ss:$0x41] =	vst.msk $0xffff, v3  }
0x42: {  	s22 =	sshra.s32 s20, $0x2;
	s20 =	smov.u32 s21;
	v7 =	vld [tilespmem:s17+$0xFFFFFFF0];
	[tilespmem:s18+$0x1860 ss:$0x41] =	vst.msk $0xffff, v2  }
.Ltmp3:
0x43: {  	v4 =	vld [tilespmem:s17+$0x0];
	[tilespmem:s18+$0x0 ss:$0x41] =	vst.msk $0xffff, v1;
	s18 =	sadd.s32 s22, s19;
	(pc) =	sbr.rel @p1 .LBB1_3-.Ltmp3, $4  }
0x44: {  	v3 =	vld [tilespmem:s17+$0x10];
	[tilespmem:s18+$0x1C70 ss:$0x41] =	vst.msk $0xffff, v0  }
0x45: {  	[tilespmem:s18+$0x410 ss:$0x41] =	vst.msk $0xffff, v5;
	v2 =	vld [tilespmem:s17+$0x20]  }
0x46: {  	v1 =	vld [tilespmem:s17+$0xFFFFFFC0];
	[tilespmem:s18+$0x820 ss:$0x41] =	vst.msk $0xffff, v6;
	s17 =	sadd.s32 $0x80, s17  }
0x47: {  	s21 =	sadd.s32 $0x4, s21;
	v0 =	vld [tilespmem:s17+$0x30];
	[tilespmem:s18+$0xC30 ss:$0x41] =	vst.msk $0xffff, v7  }
0x48: {  	s21 =	sshll.u32 s9, $0x7;
	s22 =	sshll.u32 s10, $0x3;
	s20 =	sshra.s32 s20, $0x2  }
0x49: {  	p1 =	sgt.s32 s9, $0xF41C0;
	s30 =	sshra.s32 s9, $0x1F;
	s25 =	sshra.s32 s10, $0x1F  }
0x4a: {  	v5 =	vld [tilespmem:s17+$0xFFFFFFD0];
	s28 =	sshrl.u32 s10, $0x3;
	s23 =	sand.u32 $0xFFFFFC00, s21;
	s22 =	sand.u32 $0xFFFFFC00, s22  }
0x4b: {  	[tilespmem:s18+$0x1040 ss:$0x41] =	vst.msk $0xffff, v4;
	v58 =	vld [tilespmem:s17+$0xFFFFFFE0];
	s21 =	sand.u32 $0x380, s21;
	s19 =	sadd.s32 s20, s19;
	s22 =	sadd.s32 s22, s23  }
0x4c: {  	v59 =	vld [tilespmem:s17+$0xFFFFFFF0];
	[tilespmem:s18+$0x1450 ss:$0x41] =	vst.msk $0xffff, v3;
	s29 =	sor.u32 s21, s22;
	s21 =	smov.u32 s9;
	s22 =	sand.u32 s30, s9  }
0x4d: {  	v60 =	vld [tilespmem:s17+$0x0];
	[tilespmem:s18+$0x1860 ss:$0x41] =	vst.msk $0xffff, v2;
	s30 =	sand.u32 $0x7, s10;
	s20 =	sshrl.u32 s29, $0x7;
	s21 =	simm.s32 @!p1 $0xF41C0  }
0x4e: {  	v61 =	vld [tilespmem:s17+$0x10];
	[tilespmem:s18+$0x0 ss:$0x41] =	vst.msk $0xffff, v1;
	p1 =	sgt.s32 s10, $0x40;
	s24 =	ssub.s32 s21, s22;
	s21 =	smov.u32 s10  }
0x4f: {  	v62 =	vld [tilespmem:s17+$0x20];
	[tilespmem:s19+$0x1C70 ss:$0x41] =	vst.msk $0xffff, v0;
	s31 =	smulhi.u32 $0x218DEF5, s20;
	s22 =	sand.u32 s25, s10;
	s21 =	simm.s32 @!p1 $0x40  }
0x50: {  	v63 =	vld [tilespmem:s17+$0xFFFFFFC0];
	[tilespmem:s19+$0x410 ss:$0x41] =	vst.msk $0xffff, v5;
	s26 =	sadd.s32 $0xFFF0BE40, s24;
	s17 =	ssub.s32 $0xF4240, s24;
	s21 =	ssub.s32 s21, s22  }
0x51: {  	[tilespmem:s19+$0x820 ss:$0x41] =	vst.msk $0xffff, v58;
	s23 =	sshrl.u32 s31, $0xD;
	p1 =	sgt.s32 s26, $0x7F;
	s27 =	sadd.s32 $0xFFFFFFC0, s21  }
0x52: {  	[tilespmem:s19+$0xC30 ss:$0x41] =	vst.msk $0xffff, v59;
	s23 =	smul.u32 $0xF4240, s23;
	s18 =	ssub.s32 $0x80, s21;
	p2 =	sgt.s32 s27, $0x3F  }
.Ltmp4:
0x53: {  	[tilespmem:s19+$0x1040 ss:$0x41] =	vst.msk $0xffff, v60;
	s17 =	simm.s32 @p1 $0x0;
	s18 =	simm.s32 @p2 $0x0;
	(pc) =	sbr.rel .LBB1_5-.Ltmp4, $4  }
0x54: {  	s29 =	sand.u32 $0xF, s28;
	[tilespmem:s19+$0x1450 ss:$0x41] =	vst.msk $0xffff, v61;
	s20 =	ssub.s32 s20, s23;
	s17 =	smul.u32 s18, s17  }
0x55: {  	[tilespmem:s19+$0x1860 ss:$0x41] =	vst.msk $0xffff, v62;
	s21 =	sshll.u32 s30, $0x12;
	s20 =	sshll.u32 s20, $0x4;
	s18 =	sadd.s32 s5, s29  }
0x56: {  	[tilespmem:s19+$0x0 ss:$0x41] =	vst.msk $0xffff, v63;
	s31 =	sor.u32 $0x40, s21;
	s18 =	sadd.s32 s20, s18;
	s17 =	sand.u32 $0x3FFFFFFF, s17  }
0x57: {  	[hbm4b:s18+s31] =	stream.strided.scatter [tilespmem:s16], [sflag:$0x2], s17, s8, s31, $0x18;
	[tilespmem:$0x8100] =	vst v63  }
.LBB1_6:
0x58: {  	_ =	sfence.sel $0x180000  }
0x59: {  	s2 =	simm.s32 $0x1;
	[bflag:$0x0] =	sbarrier.arrive $0xFFFF  }
0x5a: {  	s31 =	simm.s32 $0x2;
	[sflag:s2] =	ssyncpa.u1 $0x1  }
0x5b: {  	[sflag:s31] =	ssyncpa.u1 $0x1  }
0x5c: {  	p0 =	sne.s32 s1, $0x0;
	_ =	strace $0x90000047  }
0x5d: {  	s0 =	sadd.s32 @!p0 $0x100000, s0;
	[bflag:$0x2] =	sbarrier.arrive $0xFFFF  }
0x5e: {  	[sflag:s0] =	ssyncadd.tile.s32 @!p0 $0x1;
	_ =	shalt  }
.Lfunc_end1:
_tile_overlayer_lowered:
.L_overlay_start_2:
0x5f: {  	(tag) =	ssettag $0x2  }
0x60: {  	s0 =	rddreg [dreg:$0x0];
	s2 =	stileid.u32  }
0x61: {  	s1 =	rddreg [dreg:$0x1];
	p0 =	sne.s32 s2, $0x0  }
0x62: {  	s3 =	rddreg [dreg:$0x2];
	[bflag:$0x3] =	sbarrier.arrive $0xFFFF;
	s2 =	simm.s32 @!p0 $0x1C01  }
0x63: {  	[timem:s3], [sflag:s2] =	dma.local @!p0 [hbm:s0], s1  }
0x64: {  	s0 =	simm.s32 @!p0 $0x1  }
0x65: {  	_ =	swait.ge @!p0 [sflag:s0], s1  }
0x66: {  	s1 =	ssub.s32 @!p0 $0x0, s1;
	[sflag:s0] =	ssyncset.done @!p0 $0x0  }
0x67: {  	[sflag:s0] =	ssyncadd.s32 @!p0 s1  }
0x68: {  	[bflag:$0x3] =	sbarrier.arrive $0xFFFF  }
0x69: {  	_ =	shalt  }

</sc_bundles>
